<compile_context>
chip_gen: v7x
topology: tpu7x:2x2x1
jax: 0.10.2.dev20260603
libtpu: 0.0.44.dev20260713+nightly
codegen_flags: <defaults>
</compile_context>

<pallas_src>
import functools

import jax
import jax.numpy as jnp
from jax import lax
from jax.experimental import pallas as pl
from jax.experimental.pallas import tpu as pltpu
from jax.experimental.pallas import tpu_sc as plsc

_N = 10000
_E = 320000
_D = 128

_NC = 2
_NS = 16
_NW = _NC * _NS
_EPW = _E // _NW
_K = 80
_EPP = _EPW
_CH = _EPP // _K
_NP = 10240
_RPT = _NP // _NS
_NBUF = 2
_NPASS = 1
_HCH = _CH // _NPASS



_ROWS = 2000


def _lin3_body(x_ref, w_ref, Wxv_ref, bxv_ref, Wwv_ref, bwv_ref,
               Wwe_ref, bwe_ref, x1_ref, w1_ref, w2_ref):
    x = x_ref[...]
    w = w_ref[...]
    x1_ref[...] = jnp.dot(x, Wxv_ref[...],
                          preferred_element_type=jnp.float32) + bxv_ref[...]
    w1_ref[...] = jnp.dot(w, Wwv_ref[...],
                          preferred_element_type=jnp.float32) + bwv_ref[...]
    w2_ref[...] = jnp.dot(w, Wwe_ref[...],
                          preferred_element_type=jnp.float32) + bwe_ref[...]


def _update_lin_body(x1_ref, p0_ref, p1_ref, Wxe_ref, bxe_ref,
                     xn_ref, x2_ref):
    x1 = x1_ref[...]
    xn = x1 + (p0_ref[...] + p1_ref[...]) * x1
    xn_ref[...] = xn
    x2_ref[...] = jnp.dot(xn, Wxe_ref[...],
                          preferred_element_type=jnp.float32) + bxe_ref[...]


def _update_body(w2_ref, q0_ref, q1_ref, wn_ref):
    w2 = w2_ref[...]
    wn_ref[...] = w2 + (q0_ref[...] + q1_ref[...]) * w2


def _row_spec():
    return pl.BlockSpec((_ROWS, _D), lambda i: (i, 0))


def _full_spec(shape):
    return pl.BlockSpec(shape, lambda i: tuple(0 for _ in shape))



def _sc_aggregate(table, gidx, sidx):
    mesh = plsc.VectorSubcoreMesh(core_axis_name="c", subcore_axis_name="s")

    @functools.partial(
        pl.kernel,
        mesh=mesh,
        out_type=jax.ShapeDtypeStruct((_NC * _NP, _D), jnp.float32),
        scratch_types=[
            pltpu.VMEM((_EPP,), jnp.int32),
            pltpu.VMEM((_HCH, _K), jnp.int32),
            pltpu.VMEM((_NBUF * _K, _D), jnp.float32),
            pltpu.SemaphoreType.DMA,
            pltpu.SemaphoreType.DMA,
            pltpu.VMEM_SHARED((_NP, _D), jnp.float32),
        ],
    )
    def body(table_hbm, gidx_hbm, sidx_hbm, out_hbm,
             gidx_v, sidx_v, big_v, gsem, ssem, accum_sh):
        c = lax.axis_index("c")
        s = lax.axis_index("s")
        wid = s * _NC + c

        def zrow(i, _):
            for j in range(_D // 16):
                big_v[i, pl.ds(j * 16, 16)] = jnp.zeros((16,), jnp.float32)
            return _
        lax.fori_loop(0, _K, zrow, None)
        for r in range(_RPT // _K):
            pltpu.sync_copy(
                big_v.at[pl.ds(0, _K)],
                accum_sh.at[pl.ds(s * _RPT + r * _K, _K)])
        plsc.subcore_barrier()

        def bufslot(j):
            off = pl.multiple_of(lax.rem(j, _NBUF) * _K, _K)
            return big_v.at[pl.ds(off, _K)]

        def gslice(j):
            off = pl.multiple_of(j * _K, 8)
            return gidx_v.at[pl.ds(off, _K)]

        def fire_gather(j):
            pltpu.async_copy(table_hbm.at[gslice(j)], bufslot(j), gsem)

        for p in range(_NPASS):
            pltpu.sync_copy(
                gidx_hbm.at[pl.ds(wid * _EPP, _EPP)], gidx_v)
            pltpu.sync_copy(sidx_hbm.at[wid * _NPASS + p], sidx_v)
            fire_gather(0)

            def step(j, _):
                @pl.when(j + 1 < _HCH)
                def _fire():
                    fire_gather(j + 1)
                pltpu.make_async_copy(
                    table_hbm.at[gidx_v.at[pl.ds(0, _K)]],
                    big_v.at[pl.ds(0, _K)], gsem).wait()
                pltpu.async_copy(
                    bufslot(j), accum_sh.at[sidx_v.at[j]], ssem, add=True)
                pltpu.make_async_copy(
                    big_v.at[pl.ds(0, _K)], accum_sh.at[sidx_v.at[j]],
                    ssem).wait()
                return _
            lax.fori_loop(0, _HCH, step, None)
        plsc.subcore_barrier()

        pltpu.sync_copy(accum_sh.at[pl.ds(s * _RPT, _RPT)],
                        out_hbm.at[pl.ds(c * _NP + s * _RPT, _RPT)])

    return body(table, gidx, sidx)



def kernel(h, x, w, Wx_v, bx_v, Ww_v, bw_v, Wx_e, bx_e, Ww_e, bw_e):
    h32 = h.astype(jnp.int32)
    pad_g = jnp.zeros((_NW, _EPP - _EPW), jnp.int32)
    pad_s = jnp.full((_NW, _EPP - _EPW), _NP - 1, jnp.int32)
    src_w = h32[0].reshape(_NW, _EPW)
    dst_w = h32[1].reshape(_NW, _EPW)

    def _padded(a, pad):
        return jnp.concatenate([a, pad], axis=1).reshape(
            _NW * _NPASS, _HCH, _K)

    src_g = jnp.concatenate([src_w, pad_g], axis=1).reshape(-1)
    dst_g = jnp.concatenate([dst_w, pad_g], axis=1).reshape(-1)
    src_s = _padded(src_w, pad_s)
    dst_s = _padded(dst_w, pad_s)
    bx_v2 = bx_v.reshape(1, _D)
    bw_v2 = bw_v.reshape(1, _D)
    bx_e2 = bx_e.reshape(1, _D)
    bw_e2 = bw_e.reshape(1, _D)

    wspec = _full_spec((_D, _D))
    bspec = _full_spec((1, _D))

    x1, w1, w2 = pl.pallas_call(
        _lin3_body,
        grid=(_N // _ROWS,),
        in_specs=[_row_spec(), _row_spec(),
                  wspec, bspec, wspec, bspec, wspec, bspec],
        out_specs=[_row_spec(), _row_spec(), _row_spec()],
        out_shape=[jax.ShapeDtypeStruct((_N, _D), jnp.float32)] * 3,
    )(x, w, Wx_v, bx_v2, Ww_v, bw_v2, Ww_e, bw_e2)

    pv = _sc_aggregate(w1, dst_g, src_s)

    x_new, x2 = pl.pallas_call(
        _update_lin_body,
        grid=(_N // _ROWS,),
        in_specs=[_row_spec(), _row_spec(), _row_spec(), wspec, bspec],
        out_specs=[_row_spec(), _row_spec()],
        out_shape=[jax.ShapeDtypeStruct((_N, _D), jnp.float32)] * 2,
    )(x1, pv[:_N], pv[_NP:_NP + _N], Wx_e, bx_e2)

    qv = _sc_aggregate(x2, src_g, dst_s)

    w_new = pl.pallas_call(
        _update_body,
        grid=(_N // _ROWS,),
        in_specs=[_row_spec(), _row_spec(), _row_spec()],
        out_specs=_row_spec(),
        out_shape=jax.ShapeDtypeStruct((_N, _D), jnp.float32),
    )(w2, qv[:_N], qv[_NP:_NP + _N])

    return (w_new, x_new)

# --- scband reference (transcript-rebuilt; emitter-appended) ---
"""Pipeline reference for scband-hyper-econv-58282706207094 (READ-ONLY COPY).

The authoritative reference and input builder live on the scoring server;
editing this copy changes nothing except your own understanding.
"""

import jax, jax.numpy as jnp
import numpy as np

N = 10000
E = 320000
IN_X = 128
IN_W = 128
OUT_X = 128
OUT_W = 128

def _linear_params(key, fan_in, fan_out):
    k1, k2 = jax.random.split(key)
    bound = 1.0 / np.sqrt(fan_in)
    W = jax.random.uniform(k1, (fan_in, fan_out), minval=-bound, maxval=bound, dtype=jnp.float32)
    b = jax.random.uniform(k2, (fan_out,), minval=-bound, maxval=bound, dtype=jnp.float32)
    return W, b

def setup_inputs(seed: int = 0) -> dict:
    key = jax.random.key(seed)
    ks = jax.random.split(key, 8)
    h = jax.random.randint(ks[0], (2, E), 0, N, dtype=jnp.int64)
    x = jax.random.normal(ks[1], (N, IN_X), dtype=jnp.float32)
    w = jax.random.normal(ks[2], (N, IN_W), dtype=jnp.float32)
    # MPToVertex(in_x=IN_X, in_w=IN_W, out_x=OUT_X)
    Wx_v, bx_v = _linear_params(ks[3], IN_X, OUT_X)
    Ww_v, bw_v = _linear_params(ks[4], IN_W, OUT_X)
    # MPToEdge(in_x=OUT_X, in_w=IN_W, out_w=OUT_W)
    Wx_e, bx_e = _linear_params(ks[5], OUT_X, OUT_W)
    Ww_e, bw_e = _linear_params(ks[6], IN_W, OUT_W)
    return {"h": h, "x": x, "w": w,
            "Wx_v": Wx_v, "bx_v": bx_v, "Ww_v": Ww_v, "bw_v": bw_v,
            "Wx_e": Wx_e, "bx_e": bx_e, "Ww_e": Ww_e, "bw_e": bw_e}

def reference(h, x, w, Wx_v, bx_v, Ww_v, bw_v, Wx_e, bx_e, Ww_e, bw_e):
    src = h[0]  # vertex indices of incidences
    dst = h[1]  # hyperedge indices of incidences
    n_x = x.shape[0]
    n_w = w.shape[0]
    # --- MPToVertex (flow='target_to_source', aggr='add') ---
    x1 = x @ Wx_v + bx_v          # lin_x(x)  [N, OUT_X]
    w1 = w @ Ww_v + bw_v          # lin_w(w)  [M, OUT_X]
    # message: w_j = w1[h[1]]; aggregate over h[0] with dim_size = w.shape[-2]
    msg_v = jnp.take(w1, dst, axis=0)                      # [E, OUT_X]
    aggr_v = jax.ops.segment_sum(msg_v, src, num_segments=n_w)  # [M(=N), OUT_X]
    x_new = x1 + aggr_v * x1      # update: x + aggr_out * x
    # --- MPToEdge (flow='source_to_target', aggr='add') ---
    x2 = x_new @ Wx_e + bx_e      # lin_x(x_new) [N, OUT_W]
    w2 = w @ Ww_e + bw_e          # lin_w(w)     [M, OUT_W]
    # message: x_j = x2[h[0]]; aggregate over h[1] with dim_size = w.shape[-2]
    msg_e = jnp.take(x2, src, axis=0)                      # [E, OUT_W]
    aggr_e = jax.ops.segment_sum(msg_e, dst, num_segments=n_w)  # [M, OUT_W]
    w_new = w2 + aggr_e * w2      # update: w + aggr_out * w
    return (w_new, x_new)

if __name__ == "__main__":
    import jax
    _d = setup_inputs()
    print(jax.jit(kernel)(*tuple(_d.values())))

</pallas_src>

<mosaic_0001>
#map = affine_map<(d0, d1) -> (0, 0)>
#map1 = affine_map<(d0, d1) -> (0)>
#map2 = affine_map<(d0, d1) -> (0, 0, 0)>
module attributes {stable_mosaic.version = 14 : i64} {
  func.func @body(%arg0: i32, %arg1: i32, %arg2: memref<10000x128xf32, #tpu.memory_space<hbm>>, %arg3: memref<320000xi32, #tpu.memory_space<hbm>>, %arg4: memref<32x125x80xi32, #tpu.memory_space<hbm>>, %arg5: memref<20480x128xf32, #tpu.memory_space<hbm>>, %arg6: memref<10000xi32, #tpu.memory_space<vmem>>, %arg7: memref<125x80xi32, #tpu.memory_space<vmem>>, %arg8: memref<160x128xf32, #tpu.memory_space<vmem>>, %arg9: memref<!tpu.dma_semaphore, #tpu.memory_space<semaphore_mem>>, %arg10: memref<!tpu.dma_semaphore, #tpu.memory_space<semaphore_mem>>, %arg11: memref<10240x128xf32, #tpu.memory_space<vmem_shared>>) attributes {dimension_semantics = [#tpu.dimension_semantics<core_parallel>, #tpu.dimension_semantics<subcore_parallel>], iteration_bounds = array<i64: 2, 16>, scalar_prefetch = 0 : i64, scratch_operands = 6 : i64, tpu.core_type = #tpu.core_type<sc_vector_subcore>, window_params = [{transform_indices = #map}, {transform_indices = #map1}, {transform_indices = #map2}, {transform_indices = #map}]} {
    %mul3A = arith.constant 2 : i32
    %mul3A_0 = arith.muli %arg1, %mul3A : i32
    %add3A = arith.addi %mul3A_0, %arg0 : i32
    %scan3A = arith.constant 0 : i32
    %scan3A_1 = arith.constant 80 : i32
    %scan3A_2 = arith.addi %scan3A, %scan3A_1 : i32
    %scan3A_3 = arith.constant 1 : i32
    scf.for %scan3A_67 = %scan3A to %scan3A_2 step %scan3A_3  : i32 {
      %broadcast_in_dim3A = arith.constant 0.000000e+00 : f32
      %broadcast_in_dim3A_68 = vector.broadcast %broadcast_in_dim3A : f32 to vector<16xf32>
      %swap3A = arith.index_cast %scan3A_67 : i32 to index
      %swap3A_69 = arith.constant 0 : index
      %swap3A_70 = tpu.vector_load %arg8[%swap3A, %swap3A_69] {strides = array<i32>} : memref<160x128xf32, #tpu.memory_space<vmem>>, vector<1x16xf32>,
      %swap3A_71 = vector.shape_cast %swap3A_70 : vector<1x16xf32> to vector<16xf32>
      %swap3A_72 = vector.shape_cast %broadcast_in_dim3A_68 : vector<16xf32> to vector<1x16xf32>
      tpu.vector_store %arg8[%swap3A, %swap3A_69], %swap3A_72 {strides = array<i32>} : memref<160x128xf32, #tpu.memory_space<vmem>>, vector<1x16xf32>,
      %broadcast_in_dim3A_73 = arith.constant 0.000000e+00 : f32
      %broadcast_in_dim3A_74 = vector.broadcast %broadcast_in_dim3A_73 : f32 to vector<16xf32>
      %swap3A_75 = arith.index_cast %scan3A_67 : i32 to index
      %swap3A_76 = arith.constant 16 : index
      %swap3A_77 = tpu.vector_load %arg8[%swap3A_75, %swap3A_76] {strides = array<i32>} : memref<160x128xf32, #tpu.memory_space<vmem>>, vector<1x16xf32>,
      %swap3A_78 = vector.shape_cast %swap3A_77 : vector<1x16xf32> to vector<16xf32>
      %swap3A_79 = vector.shape_cast %broadcast_in_dim3A_74 : vector<16xf32> to vector<1x16xf32>
      tpu.vector_store %arg8[%swap3A_75, %swap3A_76], %swap3A_79 {strides = array<i32>} : memref<160x128xf32, #tpu.memory_space<vmem>>, vector<1x16xf32>,
      %broadcast_in_dim3A_80 = arith.constant 0.000000e+00 : f32
      %broadcast_in_dim3A_81 = vector.broadcast %broadcast_in_dim3A_80 : f32 to vector<16xf32>
      %swap3A_82 = arith.index_cast %scan3A_67 : i32 to index
      %swap3A_83 = arith.constant 32 : index
      %swap3A_84 = tpu.vector_load %arg8[%swap3A_82, %swap3A_83] {strides = array<i32>} : memref<160x128xf32, #tpu.memory_space<vmem>>, vector<1x16xf32>,
      %swap3A_85 = vector.shape_cast %swap3A_84 : vector<1x16xf32> to vector<16xf32>
      %swap3A_86 = vector.shape_cast %broadcast_in_dim3A_81 : vector<16xf32> to vector<1x16xf32>
      tpu.vector_store %arg8[%swap3A_82, %swap3A_83], %swap3A_86 {strides = array<i32>} : memref<160x128xf32, #tpu.memory_space<vmem>>, vector<1x16xf32>,
      %broadcast_in_dim3A_87 = arith.constant 0.000000e+00 : f32
      %broadcast_in_dim3A_88 = vector.broadcast %broadcast_in_dim3A_87 : f32 to vector<16xf32>
      %swap3A_89 = arith.index_cast %scan3A_67 : i32 to index
      %swap3A_90 = arith.constant 48 : index
      %swap3A_91 = tpu.vector_load %arg8[%swap3A_89, %swap3A_90] {strides = array<i32>} : memref<160x128xf32, #tpu.memory_space<vmem>>, vector<1x16xf32>,
      %swap3A_92 = vector.shape_cast %swap3A_91 : vector<1x16xf32> to vector<16xf32>
      %swap3A_93 = vector.shape_cast %broadcast_in_dim3A_88 : vector<16xf32> to vector<1x16xf32>
      tpu.vector_store %arg8[%swap3A_89, %swap3A_90], %swap3A_93 {strides = array<i32>} : memref<160x128xf32, #tpu.memory_space<vmem>>, vector<1x16xf32>,
      %broadcast_in_dim3A_94 = arith.constant 0.000000e+00 : f32
      %broadcast_in_dim3A_95 = vector.broadcast %broadcast_in_dim3A_94 : f32 to vector<16xf32>
      %swap3A_96 = arith.index_cast %scan3A_67 : i32 to index
      %swap3A_97 = arith.constant 64 : index
      %swap3A_98 = tpu.vector_load %arg8[%swap3A_96, %swap3A_97] {strides = array<i32>} : memref<160x128xf32, #tpu.memory_space<vmem>>, vector<1x16xf32>,
      %swap3A_99 = vector.shape_cast %swap3A_98 : vector<1x16xf32> to vector<16xf32>
      %swap3A_100 = vector.shape_cast %broadcast_in_dim3A_95 : vector<16xf32> to vector<1x16xf32>
      tpu.vector_store %arg8[%swap3A_96, %swap3A_97], %swap3A_100 {strides = array<i32>} : memref<160x128xf32, #tpu.memory_space<vmem>>, vector<1x16xf32>,
      %broadcast_in_dim3A_101 = arith.constant 0.000000e+00 : f32
      %broadcast_in_dim3A_102 = vector.broadcast %broadcast_in_dim3A_101 : f32 to vector<16xf32>
      %swap3A_103 = arith.index_cast %scan3A_67 : i32 to index
      %swap3A_104 = arith.constant 80 : index
      %swap3A_105 = tpu.vector_load %arg8[%swap3A_103, %swap3A_104] {strides = array<i32>} : memref<160x128xf32, #tpu.memory_space<vmem>>, vector<1x16xf32>,
      %swap3A_106 = vector.shape_cast %swap3A_105 : vector<1x16xf32> to vector<16xf32>
      %swap3A_107 = vector.shape_cast %broadcast_in_dim3A_102 : vector<16xf32> to vector<1x16xf32>
      tpu.vector_store %arg8[%swap3A_103, %swap3A_104], %swap3A_107 {strides = array<i32>} : memref<160x128xf32, #tpu.memory_space<vmem>>, vector<1x16xf32>,
      %broadcast_in_dim3A_108 = arith.constant 0.000000e+00 : f32
      %broadcast_in_dim3A_109 = vector.broadcast %broadcast_in_dim3A_108 : f32 to vector<16xf32>
      %swap3A_110 = arith.index_cast %scan3A_67 : i32 to index
      %swap3A_111 = arith.constant 96 : index
      %swap3A_112 = tpu.vector_load %arg8[%swap3A_110, %swap3A_111] {strides = array<i32>} : memref<160x128xf32, #tpu.memory_space<vmem>>, vector<1x16xf32>,
      %swap3A_113 = vector.shape_cast %swap3A_112 : vector<1x16xf32> to vector<16xf32>
      %swap3A_114 = vector.shape_cast %broadcast_in_dim3A_109 : vector<16xf32> to vector<1x16xf32>
      tpu.vector_store %arg8[%swap3A_110, %swap3A_111], %swap3A_114 {strides = array<i32>} : memref<160x128xf32, #tpu.memory_space<vmem>>, vector<1x16xf32>,
      %broadcast_in_dim3A_115 = arith.constant 0.000000e+00 : f32
      %broadcast_in_dim3A_116 = vector.broadcast %broadcast_in_dim3A_115 : f32 to vector<16xf32>
      %swap3A_117 = arith.index_cast %scan3A_67 : i32 to index
      %swap3A_118 = arith.constant 112 : index
      %swap3A_119 = tpu.vector_load %arg8[%swap3A_117, %swap3A_118] {strides = array<i32>} : memref<160x128xf32, #tpu.memory_space<vmem>>, vector<1x16xf32>,
      %swap3A_120 = vector.shape_cast %swap3A_119 : vector<1x16xf32> to vector<16xf32>
      %swap3A_121 = vector.shape_cast %broadcast_in_dim3A_116 : vector<16xf32> to vector<1x16xf32>
      tpu.vector_store %arg8[%swap3A_117, %swap3A_118], %swap3A_121 {strides = array<i32>} : memref<160x128xf32, #tpu.memory_space<vmem>>, vector<1x16xf32>,
    }
    %scan3A_4 = arith.constant 80 : i32
    %mul3A_5 = arith.constant 640 : i32
    %mul3A_6 = arith.muli %arg1, %mul3A_5 : i32
    %add3A_7 = arith.constant 0 : i32
    %add3A_8 = arith.addi %mul3A_6, %add3A_7 : i32
    "tpu.region"() ({
      %run_scoped3A = tpu.sem_alloc : memref<!tpu.dma_semaphore, #tpu.memory_space<semaphore_mem>>
      %dma_start3A_67 = arith.constant 0 : i32
      %dma_start3A_68 = arith.constant 0 : i32
      %dma_start3A_69 = tpu.memref_slice %arg8[%dma_start3A_67, %dma_start3A_68] : memref<160x128xf32, #tpu.memory_space<vmem>> -> memref<80x128xf32, #tpu.memory_space<vmem>>
      %dma_start3A_70 = arith.constant 0 : i32
      %dma_start3A_71 = tpu.memref_slice %arg11[%add3A_8, %dma_start3A_70] : memref<10240x128xf32, #tpu.memory_space<vmem_shared>> -> memref<80x128xf32, #tpu.memory_space<vmem_shared>>
      %dma_start3A_72 = arith.constant 0 : i32
      %dma_start3A_73 = tpu.memref_slice %arg11[%add3A_8, %dma_start3A_72] : memref<10240x128xf32, #tpu.memory_space<vmem_shared>> -> memref<80x128xf32, #tpu.memory_space<vmem_shared>>
      %dma_start3A_74 = arith.constant 0 : i32
      %dma_start3A_75 = arith.constant 0 : i32
      %dma_start3A_76 = tpu.memref_slice %arg8[%dma_start3A_74, %dma_start3A_75] : memref<160x128xf32, #tpu.memory_space<vmem>> -> memref<80x128xf32, #tpu.memory_space<vmem>>
      tpu.enqueue_dma source(%dma_start3A_76 : memref<80x128xf32, #tpu.memory_space<vmem>>) target(%dma_start3A_73 : memref<80x128xf32, #tpu.memory_space<vmem_shared>>) target_semaphore(%run_scoped3A : memref<!tpu.dma_semaphore, #tpu.memory_space<semaphore_mem>>)
      %dma_wait3A = arith.constant 0 : i32
      %dma_wait3A_77 = arith.constant 0 : i32
      %dma_wait3A_78 = tpu.memref_slice %arg8[%dma_wait3A, %dma_wait3A_77] : memref<160x128xf32, #tpu.memory_space<vmem>> -> memref<80x128xf32, #tpu.memory_space<vmem>>
      %dma_wait3A_79 = arith.constant 0 : i32
      %dma_wait3A_80 = tpu.memref_slice %arg11[%add3A_8, %dma_wait3A_79] : memref<10240x128xf32, #tpu.memory_space<vmem_shared>> -> memref<80x128xf32, #tpu.memory_space<vmem_shared>>
      %dma_wait3A_81 = arith.constant 0 : i32
      %dma_wait3A_82 = tpu.memref_slice %arg11[%add3A_8, %dma_wait3A_81] : memref<10240x128xf32, #tpu.memory_space<vmem_shared>> -> memref<80x128xf32, #tpu.memory_space<vmem_shared>>
      %dma_wait3A_83 = arith.constant 0 : i32
      %dma_wait3A_84 = arith.constant 0 : i32
      %dma_wait3A_85 = tpu.memref_slice %arg8[%dma_wait3A_83, %dma_wait3A_84] : memref<160x128xf32, #tpu.memory_space<vmem>> -> memref<80x128xf32, #tpu.memory_space<vmem>>
      tpu.wait_dma2 semaphore(%run_scoped3A : memref<!tpu.dma_semaphore, #tpu.memory_space<semaphore_mem>>) src(%dma_wait3A_85 : memref<80x128xf32, #tpu.memory_space<vmem>>) dst(%dma_wait3A_82 : memref<80x128xf32, #tpu.memory_space<vmem_shared>>)
      tpu.yield
    }) : () -> ()
    %mul3A_9 = arith.constant 640 : i32
    %mul3A_10 = arith.muli %arg1, %mul3A_9 : i32
    %add3A_11 = arith.constant 80 : i32
    %add3A_12 = arith.addi %mul3A_10, %add3A_11 : i32
    "tpu.region"() ({
      %run_scoped3A = tpu.sem_alloc : memref<!tpu.dma_semaphore, #tpu.memory_space<semaphore_mem>>
      %dma_start3A_67 = arith.constant 0 : i32
      %dma_start3A_68 = arith.constant 0 : i32
      %dma_start3A_69 = tpu.memref_slice %arg8[%dma_start3A_67, %dma_start3A_68] : memref<160x128xf32, #tpu.memory_space<vmem>> -> memref<80x128xf32, #tpu.memory_space<vmem>>
      %dma_start3A_70 = arith.constant 0 : i32
      %dma_start3A_71 = tpu.memref_slice %arg11[%add3A_12, %dma_start3A_70] : memref<10240x128xf32, #tpu.memory_space<vmem_shared>> -> memref<80x128xf32, #tpu.memory_space<vmem_shared>>
      %dma_start3A_72 = arith.constant 0 : i32
      %dma_start3A_73 = tpu.memref_slice %arg11[%add3A_12, %dma_start3A_72] : memref<10240x128xf32, #tpu.memory_space<vmem_shared>> -> memref<80x128xf32, #tpu.memory_space<vmem_shared>>
      %dma_start3A_74 = arith.constant 0 : i32
      %dma_start3A_75 = arith.constant 0 : i32
      %dma_start3A_76 = tpu.memref_slice %arg8[%dma_start3A_74, %dma_start3A_75] : memref<160x128xf32, #tpu.memory_space<vmem>> -> memref<80x128xf32, #tpu.memory_space<vmem>>
      tpu.enqueue_dma source(%dma_start3A_76 : memref<80x128xf32, #tpu.memory_space<vmem>>) target(%dma_start3A_73 : memref<80x128xf32, #tpu.memory_space<vmem_shared>>) target_semaphore(%run_scoped3A : memref<!tpu.dma_semaphore, #tpu.memory_space<semaphore_mem>>)
      %dma_wait3A = arith.constant 0 : i32
      %dma_wait3A_77 = arith.constant 0 : i32
      %dma_wait3A_78 = tpu.memref_slice %arg8[%dma_wait3A, %dma_wait3A_77] : memref<160x128xf32, #tpu.memory_space<vmem>> -> memref<80x128xf32, #tpu.memory_space<vmem>>
      %dma_wait3A_79 = arith.constant 0 : i32
      %dma_wait3A_80 = tpu.memref_slice %arg11[%add3A_12, %dma_wait3A_79] : memref<10240x128xf32, #tpu.memory_space<vmem_shared>> -> memref<80x128xf32, #tpu.memory_space<vmem_shared>>
      %dma_wait3A_81 = arith.constant 0 : i32
      %dma_wait3A_82 = tpu.memref_slice %arg11[%add3A_12, %dma_wait3A_81] : memref<10240x128xf32, #tpu.memory_space<vmem_shared>> -> memref<80x128xf32, #tpu.memory_space<vmem_shared>>
      %dma_wait3A_83 = arith.constant 0 : i32
      %dma_wait3A_84 = arith.constant 0 : i32
      %dma_wait3A_85 = tpu.memref_slice %arg8[%dma_wait3A_83, %dma_wait3A_84] : memref<160x128xf32, #tpu.memory_space<vmem>> -> memref<80x128xf32, #tpu.memory_space<vmem>>
      tpu.wait_dma2 semaphore(%run_scoped3A : memref<!tpu.dma_semaphore, #tpu.memory_space<semaphore_mem>>) src(%dma_wait3A_85 : memref<80x128xf32, #tpu.memory_space<vmem>>) dst(%dma_wait3A_82 : memref<80x128xf32, #tpu.memory_space<vmem_shared>>)
      tpu.yield
    }) : () -> ()
    %mul3A_13 = arith.constant 640 : i32
    %mul3A_14 = arith.muli %arg1, %mul3A_13 : i32
    %add3A_15 = arith.constant 160 : i32
    %add3A_16 = arith.addi %mul3A_14, %add3A_15 : i32
    "tpu.region"() ({
      %run_scoped3A = tpu.sem_alloc : memref<!tpu.dma_semaphore, #tpu.memory_space<semaphore_mem>>
      %dma_start3A_67 = arith.constant 0 : i32
      %dma_start3A_68 = arith.constant 0 : i32
      %dma_start3A_69 = tpu.memref_slice %arg8[%dma_start3A_67, %dma_start3A_68] : memref<160x128xf32, #tpu.memory_space<vmem>> -> memref<80x128xf32, #tpu.memory_space<vmem>>
      %dma_start3A_70 = arith.constant 0 : i32
      %dma_start3A_71 = tpu.memref_slice %arg11[%add3A_16, %dma_start3A_70] : memref<10240x128xf32, #tpu.memory_space<vmem_shared>> -> memref<80x128xf32, #tpu.memory_space<vmem_shared>>
      %dma_start3A_72 = arith.constant 0 : i32
      %dma_start3A_73 = tpu.memref_slice %arg11[%add3A_16, %dma_start3A_72] : memref<10240x128xf32, #tpu.memory_space<vmem_shared>> -> memref<80x128xf32, #tpu.memory_space<vmem_shared>>
      %dma_start3A_74 = arith.constant 0 : i32
      %dma_start3A_75 = arith.constant 0 : i32
      %dma_start3A_76 = tpu.memref_slice %arg8[%dma_start3A_74, %dma_start3A_75] : memref<160x128xf32, #tpu.memory_space<vmem>> -> memref<80x128xf32, #tpu.memory_space<vmem>>
      tpu.enqueue_dma source(%dma_start3A_76 : memref<80x128xf32, #tpu.memory_space<vmem>>) target(%dma_start3A_73 : memref<80x128xf32, #tpu.memory_space<vmem_shared>>) target_semaphore(%run_scoped3A : memref<!tpu.dma_semaphore, #tpu.memory_space<semaphore_mem>>)
      %dma_wait3A = arith.constant 0 : i32
      %dma_wait3A_77 = arith.constant 0 : i32
      %dma_wait3A_78 = tpu.memref_slice %arg8[%dma_wait3A, %dma_wait3A_77] : memref<160x128xf32, #tpu.memory_space<vmem>> -> memref<80x128xf32, #tpu.memory_space<vmem>>
      %dma_wait3A_79 = arith.constant 0 : i32
      %dma_wait3A_80 = tpu.memref_slice %arg11[%add3A_16, %dma_wait3A_79] : memref<10240x128xf32, #tpu.memory_space<vmem_shared>> -> memref<80x128xf32, #tpu.memory_space<vmem_shared>>
      %dma_wait3A_81 = arith.constant 0 : i32
      %dma_wait3A_82 = tpu.memref_slice %arg11[%add3A_16, %dma_wait3A_81] : memref<10240x128xf32, #tpu.memory_space<vmem_shared>> -> memref<80x128xf32, #tpu.memory_space<vmem_shared>>
      %dma_wait3A_83 = arith.constant 0 : i32
      %dma_wait3A_84 = arith.constant 0 : i32
      %dma_wait3A_85 = tpu.memref_slice %arg8[%dma_wait3A_83, %dma_wait3A_84] : memref<160x128xf32, #tpu.memory_space<vmem>> -> memref<80x128xf32, #tpu.memory_space<vmem>>
      tpu.wait_dma2 semaphore(%run_scoped3A : memref<!tpu.dma_semaphore, #tpu.memory_space<semaphore_mem>>) src(%dma_wait3A_85 : memref<80x128xf32, #tpu.memory_space<vmem>>) dst(%dma_wait3A_82 : memref<80x128xf32, #tpu.memory_space<vmem_shared>>)
      tpu.yield
    }) : () -> ()
    %mul3A_17 = arith.constant 640 : i32
    %mul3A_18 = arith.muli %arg1, %mul3A_17 : i32
    %add3A_19 = arith.constant 240 : i32
    %add3A_20 = arith.addi %mul3A_18, %add3A_19 : i32
    "tpu.region"() ({
      %run_scoped3A = tpu.sem_alloc : memref<!tpu.dma_semaphore, #tpu.memory_space<semaphore_mem>>
      %dma_start3A_67 = arith.constant 0 : i32
      %dma_start3A_68 = arith.constant 0 : i32
      %dma_start3A_69 = tpu.memref_slice %arg8[%dma_start3A_67, %dma_start3A_68] : memref<160x128xf32, #tpu.memory_space<vmem>> -> memref<80x128xf32, #tpu.memory_space<vmem>>
      %dma_start3A_70 = arith.constant 0 : i32
      %dma_start3A_71 = tpu.memref_slice %arg11[%add3A_20, %dma_start3A_70] : memref<10240x128xf32, #tpu.memory_space<vmem_shared>> -> memref<80x128xf32, #tpu.memory_space<vmem_shared>>
      %dma_start3A_72 = arith.constant 0 : i32
      %dma_start3A_73 = tpu.memref_slice %arg11[%add3A_20, %dma_start3A_72] : memref<10240x128xf32, #tpu.memory_space<vmem_shared>> -> memref<80x128xf32, #tpu.memory_space<vmem_shared>>
      %dma_start3A_74 = arith.constant 0 : i32
      %dma_start3A_75 = arith.constant 0 : i32
      %dma_start3A_76 = tpu.memref_slice %arg8[%dma_start3A_74, %dma_start3A_75] : memref<160x128xf32, #tpu.memory_space<vmem>> -> memref<80x128xf32, #tpu.memory_space<vmem>>
      tpu.enqueue_dma source(%dma_start3A_76 : memref<80x128xf32, #tpu.memory_space<vmem>>) target(%dma_start3A_73 : memref<80x128xf32, #tpu.memory_space<vmem_shared>>) target_semaphore(%run_scoped3A : memref<!tpu.dma_semaphore, #tpu.memory_space<semaphore_mem>>)
      %dma_wait3A = arith.constant 0 : i32
      %dma_wait3A_77 = arith.constant 0 : i32
      %dma_wait3A_78 = tpu.memref_slice %arg8[%dma_wait3A, %dma_wait3A_77] : memref<160x128xf32, #tpu.memory_space<vmem>> -> memref<80x128xf32, #tpu.memory_space<vmem>>
      %dma_wait3A_79 = arith.constant 0 : i32
      %dma_wait3A_80 = tpu.memref_slice %arg11[%add3A_20, %dma_wait3A_79] : memref<10240x128xf32, #tpu.memory_space<vmem_shared>> -> memref<80x128xf32, #tpu.memory_space<vmem_shared>>
      %dma_wait3A_81 = arith.constant 0 : i32
      %dma_wait3A_82 = tpu.memref_slice %arg11[%add3A_20, %dma_wait3A_81] : memref<10240x128xf32, #tpu.memory_space<vmem_shared>> -> memref<80x128xf32, #tpu.memory_space<vmem_shared>>
      %dma_wait3A_83 = arith.constant 0 : i32
      %dma_wait3A_84 = arith.constant 0 : i32
      %dma_wait3A_85 = tpu.memref_slice %arg8[%dma_wait3A_83, %dma_wait3A_84] : memref<160x128xf32, #tpu.memory_space<vmem>> -> memref<80x128xf32, #tpu.memory_space<vmem>>
      tpu.wait_dma2 semaphore(%run_scoped3A : memref<!tpu.dma_semaphore, #tpu.memory_space<semaphore_mem>>) src(%dma_wait3A_85 : memref<80x128xf32, #tpu.memory_space<vmem>>) dst(%dma_wait3A_82 : memref<80x128xf32, #tpu.memory_space<vmem_shared>>)
      tpu.yield
    }) : () -> ()
    %mul3A_21 = arith.constant 640 : i32
    %mul3A_22 = arith.muli %arg1, %mul3A_21 : i32
    %add3A_23 = arith.constant 320 : i32
    %add3A_24 = arith.addi %mul3A_22, %add3A_23 : i32
    "tpu.region"() ({
      %run_scoped3A = tpu.sem_alloc : memref<!tpu.dma_semaphore, #tpu.memory_space<semaphore_mem>>
      %dma_start3A_67 = arith.constant 0 : i32
      %dma_start3A_68 = arith.constant 0 : i32
      %dma_start3A_69 = tpu.memref_slice %arg8[%dma_start3A_67, %dma_start3A_68] : memref<160x128xf32, #tpu.memory_space<vmem>> -> memref<80x128xf32, #tpu.memory_space<vmem>>
      %dma_start3A_70 = arith.constant 0 : i32
      %dma_start3A_71 = tpu.memref_slice %arg11[%add3A_24, %dma_start3A_70] : memref<10240x128xf32, #tpu.memory_space<vmem_shared>> -> memref<80x128xf32, #tpu.memory_space<vmem_shared>>
      %dma_start3A_72 = arith.constant 0 : i32
      %dma_start3A_73 = tpu.memref_slice %arg11[%add3A_24, %dma_start3A_72] : memref<10240x128xf32, #tpu.memory_space<vmem_shared>> -> memref<80x128xf32, #tpu.memory_space<vmem_shared>>
      %dma_start3A_74 = arith.constant 0 : i32
      %dma_start3A_75 = arith.constant 0 : i32
      %dma_start3A_76 = tpu.memref_slice %arg8[%dma_start3A_74, %dma_start3A_75] : memref<160x128xf32, #tpu.memory_space<vmem>> -> memref<80x128xf32, #tpu.memory_space<vmem>>
      tpu.enqueue_dma source(%dma_start3A_76 : memref<80x128xf32, #tpu.memory_space<vmem>>) target(%dma_start3A_73 : memref<80x128xf32, #tpu.memory_space<vmem_shared>>) target_semaphore(%run_scoped3A : memref<!tpu.dma_semaphore, #tpu.memory_space<semaphore_mem>>)
      %dma_wait3A = arith.constant 0 : i32
      %dma_wait3A_77 = arith.constant 0 : i32
      %dma_wait3A_78 = tpu.memref_slice %arg8[%dma_wait3A, %dma_wait3A_77] : memref<160x128xf32, #tpu.memory_space<vmem>> -> memref<80x128xf32, #tpu.memory_space<vmem>>
      %dma_wait3A_79 = arith.constant 0 : i32
      %dma_wait3A_80 = tpu.memref_slice %arg11[%add3A_24, %dma_wait3A_79] : memref<10240x128xf32, #tpu.memory_space<vmem_shared>> -> memref<80x128xf32, #tpu.memory_space<vmem_shared>>
      %dma_wait3A_81 = arith.constant 0 : i32
      %dma_wait3A_82 = tpu.memref_slice %arg11[%add3A_24, %dma_wait3A_81] : memref<10240x128xf32, #tpu.memory_space<vmem_shared>> -> memref<80x128xf32, #tpu.memory_space<vmem_shared>>
      %dma_wait3A_83 = arith.constant 0 : i32
      %dma_wait3A_84 = arith.constant 0 : i32
      %dma_wait3A_85 = tpu.memref_slice %arg8[%dma_wait3A_83, %dma_wait3A_84] : memref<160x128xf32, #tpu.memory_space<vmem>> -> memref<80x128xf32, #tpu.memory_space<vmem>>
      tpu.wait_dma2 semaphore(%run_scoped3A : memref<!tpu.dma_semaphore, #tpu.memory_space<semaphore_mem>>) src(%dma_wait3A_85 : memref<80x128xf32, #tpu.memory_space<vmem>>) dst(%dma_wait3A_82 : memref<80x128xf32, #tpu.memory_space<vmem_shared>>)
      tpu.yield
    }) : () -> ()
    %mul3A_25 = arith.constant 640 : i32
    %mul3A_26 = arith.muli %arg1, %mul3A_25 : i32
    %add3A_27 = arith.constant 400 : i32
    %add3A_28 = arith.addi %mul3A_26, %add3A_27 : i32
    "tpu.region"() ({
      %run_scoped3A = tpu.sem_alloc : memref<!tpu.dma_semaphore, #tpu.memory_space<semaphore_mem>>
      %dma_start3A_67 = arith.constant 0 : i32
      %dma_start3A_68 = arith.constant 0 : i32
      %dma_start3A_69 = tpu.memref_slice %arg8[%dma_start3A_67, %dma_start3A_68] : memref<160x128xf32, #tpu.memory_space<vmem>> -> memref<80x128xf32, #tpu.memory_space<vmem>>
      %dma_start3A_70 = arith.constant 0 : i32
      %dma_start3A_71 = tpu.memref_slice %arg11[%add3A_28, %dma_start3A_70] : memref<10240x128xf32, #tpu.memory_space<vmem_shared>> -> memref<80x128xf32, #tpu.memory_space<vmem_shared>>
      %dma_start3A_72 = arith.constant 0 : i32
      %dma_start3A_73 = tpu.memref_slice %arg11[%add3A_28, %dma_start3A_72] : memref<10240x128xf32, #tpu.memory_space<vmem_shared>> -> memref<80x128xf32, #tpu.memory_space<vmem_shared>>
      %dma_start3A_74 = arith.constant 0 : i32
      %dma_start3A_75 = arith.constant 0 : i32
      %dma_start3A_76 = tpu.memref_slice %arg8[%dma_start3A_74, %dma_start3A_75] : memref<160x128xf32, #tpu.memory_space<vmem>> -> memref<80x128xf32, #tpu.memory_space<vmem>>
      tpu.enqueue_dma source(%dma_start3A_76 : memref<80x128xf32, #tpu.memory_space<vmem>>) target(%dma_start3A_73 : memref<80x128xf32, #tpu.memory_space<vmem_shared>>) target_semaphore(%run_scoped3A : memref<!tpu.dma_semaphore, #tpu.memory_space<semaphore_mem>>)
      %dma_wait3A = arith.constant 0 : i32
      %dma_wait3A_77 = arith.constant 0 : i32
      %dma_wait3A_78 = tpu.memref_slice %arg8[%dma_wait3A, %dma_wait3A_77] : memref<160x128xf32, #tpu.memory_space<vmem>> -> memref<80x128xf32, #tpu.memory_space<vmem>>
      %dma_wait3A_79 = arith.constant 0 : i32
      %dma_wait3A_80 = tpu.memref_slice %arg11[%add3A_28, %dma_wait3A_79] : memref<10240x128xf32, #tpu.memory_space<vmem_shared>> -> memref<80x128xf32, #tpu.memory_space<vmem_shared>>
      %dma_wait3A_81 = arith.constant 0 : i32
      %dma_wait3A_82 = tpu.memref_slice %arg11[%add3A_28, %dma_wait3A_81] : memref<10240x128xf32, #tpu.memory_space<vmem_shared>> -> memref<80x128xf32, #tpu.memory_space<vmem_shared>>
      %dma_wait3A_83 = arith.constant 0 : i32
      %dma_wait3A_84 = arith.constant 0 : i32
      %dma_wait3A_85 = tpu.memref_slice %arg8[%dma_wait3A_83, %dma_wait3A_84] : memref<160x128xf32, #tpu.memory_space<vmem>> -> memref<80x128xf32, #tpu.memory_space<vmem>>
      tpu.wait_dma2 semaphore(%run_scoped3A : memref<!tpu.dma_semaphore, #tpu.memory_space<semaphore_mem>>) src(%dma_wait3A_85 : memref<80x128xf32, #tpu.memory_space<vmem>>) dst(%dma_wait3A_82 : memref<80x128xf32, #tpu.memory_space<vmem_shared>>)
      tpu.yield
    }) : () -> ()
    %mul3A_29 = arith.constant 640 : i32
    %mul3A_30 = arith.muli %arg1, %mul3A_29 : i32
    %add3A_31 = arith.constant 480 : i32
    %add3A_32 = arith.addi %mul3A_30, %add3A_31 : i32
    "tpu.region"() ({
      %run_scoped3A = tpu.sem_alloc : memref<!tpu.dma_semaphore, #tpu.memory_space<semaphore_mem>>
      %dma_start3A_67 = arith.constant 0 : i32
      %dma_start3A_68 = arith.constant 0 : i32
      %dma_start3A_69 = tpu.memref_slice %arg8[%dma_start3A_67, %dma_start3A_68] : memref<160x128xf32, #tpu.memory_space<vmem>> -> memref<80x128xf32, #tpu.memory_space<vmem>>
      %dma_start3A_70 = arith.constant 0 : i32
      %dma_start3A_71 = tpu.memref_slice %arg11[%add3A_32, %dma_start3A_70] : memref<10240x128xf32, #tpu.memory_space<vmem_shared>> -> memref<80x128xf32, #tpu.memory_space<vmem_shared>>
      %dma_start3A_72 = arith.constant 0 : i32
      %dma_start3A_73 = tpu.memref_slice %arg11[%add3A_32, %dma_start3A_72] : memref<10240x128xf32, #tpu.memory_space<vmem_shared>> -> memref<80x128xf32, #tpu.memory_space<vmem_shared>>
      %dma_start3A_74 = arith.constant 0 : i32
      %dma_start3A_75 = arith.constant 0 : i32
      %dma_start3A_76 = tpu.memref_slice %arg8[%dma_start3A_74, %dma_start3A_75] : memref<160x128xf32, #tpu.memory_space<vmem>> -> memref<80x128xf32, #tpu.memory_space<vmem>>
      tpu.enqueue_dma source(%dma_start3A_76 : memref<80x128xf32, #tpu.memory_space<vmem>>) target(%dma_start3A_73 : memref<80x128xf32, #tpu.memory_space<vmem_shared>>) target_semaphore(%run_scoped3A : memref<!tpu.dma_semaphore, #tpu.memory_space<semaphore_mem>>)
      %dma_wait3A = arith.constant 0 : i32
      %dma_wait3A_77 = arith.constant 0 : i32
      %dma_wait3A_78 = tpu.memref_slice %arg8[%dma_wait3A, %dma_wait3A_77] : memref<160x128xf32, #tpu.memory_space<vmem>> -> memref<80x128xf32, #tpu.memory_space<vmem>>
      %dma_wait3A_79 = arith.constant 0 : i32
      %dma_wait3A_80 = tpu.memref_slice %arg11[%add3A_32, %dma_wait3A_79] : memref<10240x128xf32, #tpu.memory_space<vmem_shared>> -> memref<80x128xf32, #tpu.memory_space<vmem_shared>>
      %dma_wait3A_81 = arith.constant 0 : i32
      %dma_wait3A_82 = tpu.memref_slice %arg11[%add3A_32, %dma_wait3A_81] : memref<10240x128xf32, #tpu.memory_space<vmem_shared>> -> memref<80x128xf32, #tpu.memory_space<vmem_shared>>
      %dma_wait3A_83 = arith.constant 0 : i32
      %dma_wait3A_84 = arith.constant 0 : i32
      %dma_wait3A_85 = tpu.memref_slice %arg8[%dma_wait3A_83, %dma_wait3A_84] : memref<160x128xf32, #tpu.memory_space<vmem>> -> memref<80x128xf32, #tpu.memory_space<vmem>>
      tpu.wait_dma2 semaphore(%run_scoped3A : memref<!tpu.dma_semaphore, #tpu.memory_space<semaphore_mem>>) src(%dma_wait3A_85 : memref<80x128xf32, #tpu.memory_space<vmem>>) dst(%dma_wait3A_82 : memref<80x128xf32, #tpu.memory_space<vmem_shared>>)
      tpu.yield
    }) : () -> ()
    %mul3A_33 = arith.constant 640 : i32
    %mul3A_34 = arith.muli %arg1, %mul3A_33 : i32
    %add3A_35 = arith.constant 560 : i32
    %add3A_36 = arith.addi %mul3A_34, %add3A_35 : i32
    "tpu.region"() ({
      %run_scoped3A = tpu.sem_alloc : memref<!tpu.dma_semaphore, #tpu.memory_space<semaphore_mem>>
      %dma_start3A_67 = arith.constant 0 : i32
      %dma_start3A_68 = arith.constant 0 : i32
      %dma_start3A_69 = tpu.memref_slice %arg8[%dma_start3A_67, %dma_start3A_68] : memref<160x128xf32, #tpu.memory_space<vmem>> -> memref<80x128xf32, #tpu.memory_space<vmem>>
      %dma_start3A_70 = arith.constant 0 : i32
      %dma_start3A_71 = tpu.memref_slice %arg11[%add3A_36, %dma_start3A_70] : memref<10240x128xf32, #tpu.memory_space<vmem_shared>> -> memref<80x128xf32, #tpu.memory_space<vmem_shared>>
      %dma_start3A_72 = arith.constant 0 : i32
      %dma_start3A_73 = tpu.memref_slice %arg11[%add3A_36, %dma_start3A_72] : memref<10240x128xf32, #tpu.memory_space<vmem_shared>> -> memref<80x128xf32, #tpu.memory_space<vmem_shared>>
      %dma_start3A_74 = arith.constant 0 : i32
      %dma_start3A_75 = arith.constant 0 : i32
      %dma_start3A_76 = tpu.memref_slice %arg8[%dma_start3A_74, %dma_start3A_75] : memref<160x128xf32, #tpu.memory_space<vmem>> -> memref<80x128xf32, #tpu.memory_space<vmem>>
      tpu.enqueue_dma source(%dma_start3A_76 : memref<80x128xf32, #tpu.memory_space<vmem>>) target(%dma_start3A_73 : memref<80x128xf32, #tpu.memory_space<vmem_shared>>) target_semaphore(%run_scoped3A : memref<!tpu.dma_semaphore, #tpu.memory_space<semaphore_mem>>)
      %dma_wait3A = arith.constant 0 : i32
      %dma_wait3A_77 = arith.constant 0 : i32
      %dma_wait3A_78 = tpu.memref_slice %arg8[%dma_wait3A, %dma_wait3A_77] : memref<160x128xf32, #tpu.memory_space<vmem>> -> memref<80x128xf32, #tpu.memory_space<vmem>>
      %dma_wait3A_79 = arith.constant 0 : i32
      %dma_wait3A_80 = tpu.memref_slice %arg11[%add3A_36, %dma_wait3A_79] : memref<10240x128xf32, #tpu.memory_space<vmem_shared>> -> memref<80x128xf32, #tpu.memory_space<vmem_shared>>
      %dma_wait3A_81 = arith.constant 0 : i32
      %dma_wait3A_82 = tpu.memref_slice %arg11[%add3A_36, %dma_wait3A_81] : memref<10240x128xf32, #tpu.memory_space<vmem_shared>> -> memref<80x128xf32, #tpu.memory_space<vmem_shared>>
      %dma_wait3A_83 = arith.constant 0 : i32
      %dma_wait3A_84 = arith.constant 0 : i32
      %dma_wait3A_85 = tpu.memref_slice %arg8[%dma_wait3A_83, %dma_wait3A_84] : memref<160x128xf32, #tpu.memory_space<vmem>> -> memref<80x128xf32, #tpu.memory_space<vmem>>
      tpu.wait_dma2 semaphore(%run_scoped3A : memref<!tpu.dma_semaphore, #tpu.memory_space<semaphore_mem>>) src(%dma_wait3A_85 : memref<80x128xf32, #tpu.memory_space<vmem>>) dst(%dma_wait3A_82 : memref<80x128xf32, #tpu.memory_space<vmem_shared>>)
      tpu.yield
    }) : () -> ()
    %barrier3A = arith.constant 0 : index
    tpu.barrier barrier_id(%barrier3A)
    %mul3A_37 = arith.constant 10000 : i32
    %mul3A_38 = arith.muli %add3A, %mul3A_37 : i32
    "tpu.region"() ({
      %run_scoped3A = tpu.sem_alloc : memref<!tpu.dma_semaphore, #tpu.memory_space<semaphore_mem>>
      %dma_start3A_67 = tpu.memref_slice %arg3[%mul3A_38] : memref<320000xi32, #tpu.memory_space<hbm>> -> memref<10000xi32, #tpu.memory_space<hbm>>
      %dma_start3A_68 = tpu.memref_slice %arg3[%mul3A_38] : memref<320000xi32, #tpu.memory_space<hbm>> -> memref<10000xi32, #tpu.memory_space<hbm>>
      tpu.enqueue_dma source(%dma_start3A_68 : memref<10000xi32, #tpu.memory_space<hbm>>) target(%arg6 : memref<10000xi32, #tpu.memory_space<vmem>>) target_semaphore(%run_scoped3A : memref<!tpu.dma_semaphore, #tpu.memory_space<semaphore_mem>>)
      %dma_wait3A = tpu.memref_slice %arg3[%mul3A_38] : memref<320000xi32, #tpu.memory_space<hbm>> -> memref<10000xi32, #tpu.memory_space<hbm>>
      %dma_wait3A_69 = tpu.memref_slice %arg3[%mul3A_38] : memref<320000xi32, #tpu.memory_space<hbm>> -> memref<10000xi32, #tpu.memory_space<hbm>>
      tpu.wait_dma2 semaphore(%run_scoped3A : memref<!tpu.dma_semaphore, #tpu.memory_space<semaphore_mem>>) src(%dma_wait3A_69 : memref<10000xi32, #tpu.memory_space<hbm>>) dst(%arg6 : memref<10000xi32, #tpu.memory_space<vmem>>)
      tpu.yield
    }) : () -> ()
    %mul3A_39 = arith.constant 1 : i32
    %mul3A_40 = arith.muli %add3A, %mul3A_39 : i32
    %add3A_41 = arith.constant 0 : i32
    %add3A_42 = arith.addi %mul3A_40, %add3A_41 : i32
    "tpu.region"() ({
      %run_scoped3A = tpu.sem_alloc : memref<!tpu.dma_semaphore, #tpu.memory_space<semaphore_mem>>
      %dma_start3A_67 = arith.constant 0 : i32
      %dma_start3A_68 = arith.constant 0 : i32
      %dma_start3A_69 = tpu.memref_slice %arg4[%add3A_42, %dma_start3A_67, %dma_start3A_68] : memref<32x125x80xi32, #tpu.memory_space<hbm>> -> memref<1x125x80xi32, #tpu.memory_space<hbm>>
      %dma_start3A_70 = tpu.memref_squeeze %dma_start3A_69 : memref<1x125x80xi32, #tpu.memory_space<hbm>> -> memref<125x80xi32, #tpu.memory_space<hbm>>
      %dma_start3A_71 = arith.constant 0 : i32
      %dma_start3A_72 = arith.constant 0 : i32
      %dma_start3A_73 = tpu.memref_slice %arg4[%add3A_42, %dma_start3A_71, %dma_start3A_72] : memref<32x125x80xi32, #tpu.memory_space<hbm>> -> memref<1x125x80xi32, #tpu.memory_space<hbm>>
      %dma_start3A_74 = tpu.memref_squeeze %dma_start3A_73 : memref<1x125x80xi32, #tpu.memory_space<hbm>> -> memref<125x80xi32, #tpu.memory_space<hbm>>
      tpu.enqueue_dma source(%dma_start3A_74 : memref<125x80xi32, #tpu.memory_space<hbm>>) target(%arg7 : memref<125x80xi32, #tpu.memory_space<vmem>>) target_semaphore(%run_scoped3A : memref<!tpu.dma_semaphore, #tpu.memory_space<semaphore_mem>>)
      %dma_wait3A = arith.constant 0 : i32
      %dma_wait3A_75 = arith.constant 0 : i32
      %dma_wait3A_76 = tpu.memref_slice %arg4[%add3A_42, %dma_wait3A, %dma_wait3A_75] : memref<32x125x80xi32, #tpu.memory_space<hbm>> -> memref<1x125x80xi32, #tpu.memory_space<hbm>>
      %dma_wait3A_77 = tpu.memref_squeeze %dma_wait3A_76 : memref<1x125x80xi32, #tpu.memory_space<hbm>> -> memref<125x80xi32, #tpu.memory_space<hbm>>
      %dma_wait3A_78 = arith.constant 0 : i32
      %dma_wait3A_79 = arith.constant 0 : i32
      %dma_wait3A_80 = tpu.memref_slice %arg4[%add3A_42, %dma_wait3A_78, %dma_wait3A_79] : memref<32x125x80xi32, #tpu.memory_space<hbm>> -> memref<1x125x80xi32, #tpu.memory_space<hbm>>
      %dma_wait3A_81 = tpu.memref_squeeze %dma_wait3A_80 : memref<1x125x80xi32, #tpu.memory_space<hbm>> -> memref<125x80xi32, #tpu.memory_space<hbm>>
      tpu.wait_dma2 semaphore(%run_scoped3A : memref<!tpu.dma_semaphore, #tpu.memory_space<semaphore_mem>>) src(%dma_wait3A_81 : memref<125x80xi32, #tpu.memory_space<hbm>>) dst(%arg7 : memref<125x80xi32, #tpu.memory_space<vmem>>)
      tpu.yield
    }) : () -> ()
    %multiple_of3A = arith.constant 0 : i32
    %multiple_of3A_43 = tpu.assume_multiple %multiple_of3A, 8 : i32
    %rem3A = arith.constant 0 : i32
    %rem3A_44 = arith.constant 2 : i32
    %rem3A_45 = arith.remsi %rem3A, %rem3A_44 : i32
    %mul3A_46 = arith.constant 80 : i32
    %mul3A_47 = arith.muli %rem3A_45, %mul3A_46 : i32
    %multiple_of3A_48 = tpu.assume_multiple %mul3A_47, 80 : i32
    %dma_start3A = arith.constant 0 : i32
    %dma_start3A_49 = tpu.memref_slice %arg8[%multiple_of3A_48, %dma_start3A] : memref<160x128xf32, #tpu.memory_space<vmem>> -> memref<80x128xf32, #tpu.memory_space<vmem>>
    %dma_start3A_50 = tpu.memref_slice %arg6[%multiple_of3A_43] : memref<10000xi32, #tpu.memory_space<vmem>> -> memref<80xi32, #tpu.memory_space<vmem>>
    %dma_start3A_51 = arith.constant 0 : i32
    %dma_start3A_52 = arith.constant 0 : i32
    %dma_start3A_53 = tpu.memref_slice %arg2[%dma_start3A_51, %dma_start3A_52] : memref<10000x128xf32, #tpu.memory_space<hbm>> -> memref<10000x128xf32, #tpu.memory_space<hbm>>
    tpu.enqueue_indirect_dma source(%dma_start3A_53 : memref<10000x128xf32, #tpu.memory_space<hbm>>) target(%dma_start3A_49 : memref<80x128xf32, #tpu.memory_space<vmem>>) offsets(%dma_start3A_50 : memref<80xi32, #tpu.memory_space<vmem>>) semaphore(%arg9 : memref<!tpu.dma_semaphore, #tpu.memory_space<semaphore_mem>>)
    %scan3A_54 = arith.constant 0 : i32
    %scan3A_55 = arith.constant 125 : i32
    %scan3A_56 = arith.addi %scan3A_54, %scan3A_55 : i32
    %scan3A_57 = arith.constant 1 : i32
    scf.for %scan3A_67 = %scan3A_54 to %scan3A_56 step %scan3A_57  : i32 {
      %add3A_68 = arith.constant 1 : i32
      %add3A_69 = arith.addi %scan3A_67, %add3A_68 : i32
      %lt3A = arith.constant 125 : i32
      %lt3A_70 = arith.cmpi slt, %add3A_69, %lt3A : i32
      %convert_element_type3A = arith.extui %lt3A_70 : i1 to i32
      %cond3A = arith.constant 0 : i32
      %cond3A_71 = arith.cmpi ne, %convert_element_type3A, %cond3A : i32
      scf.if %cond3A_71 {
        %add3A_101 = arith.constant 1 : i32
        %add3A_102 = arith.addi %scan3A_67, %add3A_101 : i32
        %mul3A_103 = arith.constant 80 : i32
        %mul3A_104 = arith.muli %add3A_102, %mul3A_103 : i32
        %multiple_of3A_105 = tpu.assume_multiple %mul3A_104, 8 : i32
        %rem3A_106 = arith.constant 2 : i32
        %rem3A_107 = arith.remsi %add3A_102, %rem3A_106 : i32
        %mul3A_108 = arith.constant 80 : i32
        %mul3A_109 = arith.muli %rem3A_107, %mul3A_108 : i32
        %multiple_of3A_110 = tpu.assume_multiple %mul3A_109, 80 : i32
        %dma_start3A_111 = arith.constant 0 : i32
        %dma_start3A_112 = tpu.memref_slice %arg8[%multiple_of3A_110, %dma_start3A_111] : memref<160x128xf32, #tpu.memory_space<vmem>> -> memref<80x128xf32, #tpu.memory_space<vmem>>
        %dma_start3A_113 = tpu.memref_slice %arg6[%multiple_of3A_105] : memref<10000xi32, #tpu.memory_space<vmem>> -> memref<80xi32, #tpu.memory_space<vmem>>
        %dma_start3A_114 = arith.constant 0 : i32
        %dma_start3A_115 = arith.constant 0 : i32
        %dma_start3A_116 = tpu.memref_slice %arg2[%dma_start3A_114, %dma_start3A_115] : memref<10000x128xf32, #tpu.memory_space<hbm>> -> memref<10000x128xf32, #tpu.memory_space<hbm>>
        tpu.enqueue_indirect_dma source(%dma_start3A_116 : memref<10000x128xf32, #tpu.memory_space<hbm>>) target(%dma_start3A_112 : memref<80x128xf32, #tpu.memory_space<vmem>>) offsets(%dma_start3A_113 : memref<80xi32, #tpu.memory_space<vmem>>) semaphore(%arg9 : memref<!tpu.dma_semaphore, #tpu.memory_space<semaphore_mem>>)
      } else {
      }
      %dma_wait3A = arith.constant 0 : i32
      %dma_wait3A_72 = arith.constant 0 : i32
      %dma_wait3A_73 = tpu.memref_slice %arg8[%dma_wait3A, %dma_wait3A_72] : memref<160x128xf32, #tpu.memory_space<vmem>> -> memref<80x128xf32, #tpu.memory_space<vmem>>
      %dma_wait3A_74 = arith.constant 0 : i32
      %dma_wait3A_75 = tpu.memref_slice %arg6[%dma_wait3A_74] : memref<10000xi32, #tpu.memory_space<vmem>> -> memref<80xi32, #tpu.memory_space<vmem>>
      %dma_wait3A_76 = arith.constant 0 : i32
      %dma_wait3A_77 = arith.constant 0 : i32
      %dma_wait3A_78 = tpu.memref_slice %arg2[%dma_wait3A_76, %dma_wait3A_77] : memref<10000x128xf32, #tpu.memory_space<hbm>> -> memref<10000x128xf32, #tpu.memory_space<hbm>>
      tpu.wait_indirect_dma semaphore(%arg9 : memref<!tpu.dma_semaphore, #tpu.memory_space<semaphore_mem>>) src(%dma_wait3A_78 : memref<10000x128xf32, #tpu.memory_space<hbm>>) dst(%dma_wait3A_73 : memref<80x128xf32, #tpu.memory_space<vmem>>)
      %rem3A_79 = arith.constant 2 : i32
      %rem3A_80 = arith.remsi %scan3A_67, %rem3A_79 : i32
      %mul3A_81 = arith.constant 80 : i32
      %mul3A_82 = arith.muli %rem3A_80, %mul3A_81 : i32
      %multiple_of3A_83 = tpu.assume_multiple %mul3A_82, 80 : i32
      %dma_start3A_84 = arith.constant 0 : i32
      %dma_start3A_85 = tpu.memref_slice %arg8[%multiple_of3A_83, %dma_start3A_84] : memref<160x128xf32, #tpu.memory_space<vmem>> -> memref<80x128xf32, #tpu.memory_space<vmem>>
      %dma_start3A_86 = arith.constant 0 : i32
      %dma_start3A_87 = tpu.memref_slice %arg7[%scan3A_67, %dma_start3A_86] : memref<125x80xi32, #tpu.memory_space<vmem>> -> memref<1x80xi32, #tpu.memory_space<vmem>>
      %dma_start3A_88 = tpu.memref_squeeze %dma_start3A_87 : memref<1x80xi32, #tpu.memory_space<vmem>> -> memref<80xi32, #tpu.memory_space<vmem>>
      %dma_start3A_89 = arith.constant 0 : i32
      %dma_start3A_90 = arith.constant 0 : i32
      %dma_start3A_91 = tpu.memref_slice %arg11[%dma_start3A_89, %dma_start3A_90] : memref<10240x128xf32, #tpu.memory_space<vmem_shared>> -> memref<10240x128xf32, #tpu.memory_space<vmem_shared>>
      tpu.enqueue_indirect_dma source(%dma_start3A_85 : memref<80x128xf32, #tpu.memory_space<vmem>>) target(%dma_start3A_91 : memref<10240x128xf32, #tpu.memory_space<vmem_shared>>) offsets(%dma_start3A_88 : memref<80xi32, #tpu.memory_space<vmem>>) semaphore(%arg10 : memref<!tpu.dma_semaphore, #tpu.memory_space<semaphore_mem>>) {add = true}
      %dma_wait3A_92 = arith.constant 0 : i32
      %dma_wait3A_93 = arith.constant 0 : i32
      %dma_wait3A_94 = tpu.memref_slice %arg8[%dma_wait3A_92, %dma_wait3A_93] : memref<160x128xf32, #tpu.memory_space<vmem>> -> memref<80x128xf32, #tpu.memory_space<vmem>>
      %dma_wait3A_95 = arith.constant 0 : i32
      %dma_wait3A_96 = tpu.memref_slice %arg7[%scan3A_67, %dma_wait3A_95] : memref<125x80xi32, #tpu.memory_space<vmem>> -> memref<1x80xi32, #tpu.memory_space<vmem>>
      %dma_wait3A_97 = tpu.memref_squeeze %dma_wait3A_96 : memref<1x80xi32, #tpu.memory_space<vmem>> -> memref<80xi32, #tpu.memory_space<vmem>>
      %dma_wait3A_98 = arith.constant 0 : i32
      %dma_wait3A_99 = arith.constant 0 : i32
      %dma_wait3A_100 = tpu.memref_slice %arg11[%dma_wait3A_98, %dma_wait3A_99] : memref<10240x128xf32, #tpu.memory_space<vmem_shared>> -> memref<10240x128xf32, #tpu.memory_space<vmem_shared>>
      tpu.wait_indirect_dma semaphore(%arg10 : memref<!tpu.dma_semaphore, #tpu.memory_space<semaphore_mem>>) src(%dma_wait3A_94 : memref<80x128xf32, #tpu.memory_space<vmem>>) dst(%dma_wait3A_100 : memref<10240x128xf32, #tpu.memory_space<vmem_shared>>)
    }
    %scan3A_58 = arith.constant 125 : i32
    %barrier3A_59 = arith.constant 0 : index
    tpu.barrier barrier_id(%barrier3A_59)
    %mul3A_60 = arith.constant 640 : i32
    %mul3A_61 = arith.muli %arg1, %mul3A_60 : i32
    %mul3A_62 = arith.constant 10240 : i32
    %mul3A_63 = arith.muli %arg0, %mul3A_62 : i32
    %mul3A_64 = arith.constant 640 : i32
    %mul3A_65 = arith.muli %arg1, %mul3A_64 : i32
    %add3A_66 = arith.addi %mul3A_63, %mul3A_65 : i32
    "tpu.region"() ({
      %run_scoped3A = tpu.sem_alloc : memref<!tpu.dma_semaphore, #tpu.memory_space<semaphore_mem>>
      %dma_start3A_67 = arith.constant 0 : i32
      %dma_start3A_68 = tpu.memref_slice %arg5[%add3A_66, %dma_start3A_67] : memref<20480x128xf32, #tpu.memory_space<hbm>> -> memref<640x128xf32, #tpu.memory_space<hbm>>
      %dma_start3A_69 = arith.constant 0 : i32
      %dma_start3A_70 = tpu.memref_slice %arg11[%mul3A_61, %dma_start3A_69] : memref<10240x128xf32, #tpu.memory_space<vmem_shared>> -> memref<640x128xf32, #tpu.memory_space<vmem_shared>>
      tpu.enqueue_dma source(%dma_start3A_70 : memref<640x128xf32, #tpu.memory_space<vmem_shared>>) target(%dma_start3A_68 : memref<640x128xf32, #tpu.memory_space<hbm>>) target_semaphore(%run_scoped3A : memref<!tpu.dma_semaphore, #tpu.memory_space<semaphore_mem>>)
      %dma_wait3A = arith.constant 0 : i32
      %dma_wait3A_71 = tpu.memref_slice %arg5[%add3A_66, %dma_wait3A] : memref<20480x128xf32, #tpu.memory_space<hbm>> -> memref<640x128xf32, #tpu.memory_space<hbm>>
      %dma_wait3A_72 = arith.constant 0 : i32
      %dma_wait3A_73 = tpu.memref_slice %arg11[%mul3A_61, %dma_wait3A_72] : memref<10240x128xf32, #tpu.memory_space<vmem_shared>> -> memref<640x128xf32, #tpu.memory_space<vmem_shared>>
      tpu.wait_dma2 semaphore(%run_scoped3A : memref<!tpu.dma_semaphore, #tpu.memory_space<semaphore_mem>>) src(%dma_wait3A_73 : memref<640x128xf32, #tpu.memory_space<vmem_shared>>) dst(%dma_wait3A_71 : memref<640x128xf32, #tpu.memory_space<hbm>>)
      tpu.yield
    }) : () -> ()
    return
  }
}

#map = affine_map<(d0, d1) -> (0, 0)>
#map1 = affine_map<(d0, d1) -> (0)>
#map2 = affine_map<(d0, d1) -> (0, 0, 0)>
module attributes {stable_mosaic.version = 14 : i64} {
  func.func @body(%arg0: i32, %arg1: i32, %arg2: memref<10000x128xf32, #tpu.memory_space<hbm>>, %arg3: memref<320000xi32, #tpu.memory_space<hbm>>, %arg4: memref<32x125x80xi32, #tpu.memory_space<hbm>>, %arg5: memref<20480x128xf32, #tpu.memory_space<hbm>>, %arg6: memref<10000xi32, #tpu.memory_space<vmem>>, %arg7: memref<125x80xi32, #tpu.memory_space<vmem>>, %arg8: memref<160x128xf32, #tpu.memory_space<vmem>>, %arg9: memref<!tpu.dma_semaphore, #tpu.memory_space<semaphore_mem>>, %arg10: memref<!tpu.dma_semaphore, #tpu.memory_space<semaphore_mem>>, %arg11: memref<10240x128xf32, #tpu.memory_space<vmem_shared>>) attributes {dimension_semantics = [#tpu.dimension_semantics<core_parallel>, #tpu.dimension_semantics<subcore_parallel>], iteration_bounds = array<i64: 2, 16>, scalar_prefetch = 0 : i64, scratch_operands = 6 : i64, tpu.core_type = #tpu.core_type<sc_vector_subcore>, window_params = [{transform_indices = #map}, {transform_indices = #map1}, {transform_indices = #map2}, {transform_indices = #map}]} {
    %mul3A = arith.constant 2 : i32
    %mul3A_0 = arith.muli %arg1, %mul3A : i32
    %add3A = arith.addi %mul3A_0, %arg0 : i32
    %scan3A = arith.constant 0 : i32
    %scan3A_1 = arith.constant 80 : i32
    %scan3A_2 = arith.addi %scan3A, %scan3A_1 : i32
    %scan3A_3 = arith.constant 1 : i32
    scf.for %scan3A_67 = %scan3A to %scan3A_2 step %scan3A_3  : i32 {
      %broadcast_in_dim3A = arith.constant 0.000000e+00 : f32
      %broadcast_in_dim3A_68 = vector.broadcast %broadcast_in_dim3A : f32 to vector<16xf32>
      %swap3A = arith.index_cast %scan3A_67 : i32 to index
      %swap3A_69 = arith.constant 0 : index
      %swap3A_70 = tpu.vector_load %arg8[%swap3A, %swap3A_69] {strides = array<i32>} : memref<160x128xf32, #tpu.memory_space<vmem>>, vector<1x16xf32>,
      %swap3A_71 = vector.shape_cast %swap3A_70 : vector<1x16xf32> to vector<16xf32>
      %swap3A_72 = vector.shape_cast %broadcast_in_dim3A_68 : vector<16xf32> to vector<1x16xf32>
      tpu.vector_store %arg8[%swap3A, %swap3A_69], %swap3A_72 {strides = array<i32>} : memref<160x128xf32, #tpu.memory_space<vmem>>, vector<1x16xf32>,
      %broadcast_in_dim3A_73 = arith.constant 0.000000e+00 : f32
      %broadcast_in_dim3A_74 = vector.broadcast %broadcast_in_dim3A_73 : f32 to vector<16xf32>
      %swap3A_75 = arith.index_cast %scan3A_67 : i32 to index
      %swap3A_76 = arith.constant 16 : index
      %swap3A_77 = tpu.vector_load %arg8[%swap3A_75, %swap3A_76] {strides = array<i32>} : memref<160x128xf32, #tpu.memory_space<vmem>>, vector<1x16xf32>,
      %swap3A_78 = vector.shape_cast %swap3A_77 : vector<1x16xf32> to vector<16xf32>
      %swap3A_79 = vector.shape_cast %broadcast_in_dim3A_74 : vector<16xf32> to vector<1x16xf32>
      tpu.vector_store %arg8[%swap3A_75, %swap3A_76], %swap3A_79 {strides = array<i32>} : memref<160x128xf32, #tpu.memory_space<vmem>>, vector<1x16xf32>,
      %broadcast_in_dim3A_80 = arith.constant 0.000000e+00 : f32
      %broadcast_in_dim3A_81 = vector.broadcast %broadcast_in_dim3A_80 : f32 to vector<16xf32>
      %swap3A_82 = arith.index_cast %scan3A_67 : i32 to index
      %swap3A_83 = arith.constant 32 : index
      %swap3A_84 = tpu.vector_load %arg8[%swap3A_82, %swap3A_83] {strides = array<i32>} : memref<160x128xf32, #tpu.memory_space<vmem>>, vector<1x16xf32>,
      %swap3A_85 = vector.shape_cast %swap3A_84 : vector<1x16xf32> to vector<16xf32>
      %swap3A_86 = vector.shape_cast %broadcast_in_dim3A_81 : vector<16xf32> to vector<1x16xf32>
      tpu.vector_store %arg8[%swap3A_82, %swap3A_83], %swap3A_86 {strides = array<i32>} : memref<160x128xf32, #tpu.memory_space<vmem>>, vector<1x16xf32>,
      %broadcast_in_dim3A_87 = arith.constant 0.000000e+00 : f32
      %broadcast_in_dim3A_88 = vector.broadcast %broadcast_in_dim3A_87 : f32 to vector<16xf32>
      %swap3A_89 = arith.index_cast %scan3A_67 : i32 to index
      %swap3A_90 = arith.constant 48 : index
      %swap3A_91 = tpu.vector_load %arg8[%swap3A_89, %swap3A_90] {strides = array<i32>} : memref<160x128xf32, #tpu.memory_space<vmem>>, vector<1x16xf32>,
      %swap3A_92 = vector.shape_cast %swap3A_91 : vector<1x16xf32> to vector<16xf32>
      %swap3A_93 = vector.shape_cast %broadcast_in_dim3A_88 : vector<16xf32> to vector<1x16xf32>
      tpu.vector_store %arg8[%swap3A_89, %swap3A_90], %swap3A_93 {strides = array<i32>} : memref<160x128xf32, #tpu.memory_space<vmem>>, vector<1x16xf32>,
      %broadcast_in_dim3A_94 = arith.constant 0.000000e+00 : f32
      %broadcast_in_dim3A_95 = vector.broadcast %broadcast_in_dim3A_94 : f32 to vector<16xf32>
      %swap3A_96 = arith.index_cast %scan3A_67 : i32 to index
      %swap3A_97 = arith.constant 64 : index
      %swap3A_98 = tpu.vector_load %arg8[%swap3A_96, %swap3A_97] {strides = array<i32>} : memref<160x128xf32, #tpu.memory_space<vmem>>, vector<1x16xf32>,
      %swap3A_99 = vector.shape_cast %swap3A_98 : vector<1x16xf32> to vector<16xf32>
      %swap3A_100 = vector.shape_cast %broadcast_in_dim3A_95 : vector<16xf32> to vector<1x16xf32>
      tpu.vector_store %arg8[%swap3A_96, %swap3A_97], %swap3A_100 {strides = array<i32>} : memref<160x128xf32, #tpu.memory_space<vmem>>, vector<1x16xf32>,
      %broadcast_in_dim3A_101 = arith.constant 0.000000e+00 : f32
      %broadcast_in_dim3A_102 = vector.broadcast %broadcast_in_dim3A_101 : f32 to vector<16xf32>
      %swap3A_103 = arith.index_cast %scan3A_67 : i32 to index
      %swap3A_104 = arith.constant 80 : index
      %swap3A_105 = tpu.vector_load %arg8[%swap3A_103, %swap3A_104] {strides = array<i32>} : memref<160x128xf32, #tpu.memory_space<vmem>>, vector<1x16xf32>,
      %swap3A_106 = vector.shape_cast %swap3A_105 : vector<1x16xf32> to vector<16xf32>
      %swap3A_107 = vector.shape_cast %broadcast_in_dim3A_102 : vector<16xf32> to vector<1x16xf32>
      tpu.vector_store %arg8[%swap3A_103, %swap3A_104], %swap3A_107 {strides = array<i32>} : memref<160x128xf32, #tpu.memory_space<vmem>>, vector<1x16xf32>,
      %broadcast_in_dim3A_108 = arith.constant 0.000000e+00 : f32
      %broadcast_in_dim3A_109 = vector.broadcast %broadcast_in_dim3A_108 : f32 to vector<16xf32>
      %swap3A_110 = arith.index_cast %scan3A_67 : i32 to index
      %swap3A_111 = arith.constant 96 : index
      %swap3A_112 = tpu.vector_load %arg8[%swap3A_110, %swap3A_111] {strides = array<i32>} : memref<160x128xf32, #tpu.memory_space<vmem>>, vector<1x16xf32>,
      %swap3A_113 = vector.shape_cast %swap3A_112 : vector<1x16xf32> to vector<16xf32>
      %swap3A_114 = vector.shape_cast %broadcast_in_dim3A_109 : vector<16xf32> to vector<1x16xf32>
      tpu.vector_store %arg8[%swap3A_110, %swap3A_111], %swap3A_114 {strides = array<i32>} : memref<160x128xf32, #tpu.memory_space<vmem>>, vector<1x16xf32>,
      %broadcast_in_dim3A_115 = arith.constant 0.000000e+00 : f32
      %broadcast_in_dim3A_116 = vector.broadcast %broadcast_in_dim3A_115 : f32 to vector<16xf32>
      %swap3A_117 = arith.index_cast %scan3A_67 : i32 to index
      %swap3A_118 = arith.constant 112 : index
      %swap3A_119 = tpu.vector_load %arg8[%swap3A_117, %swap3A_118] {strides = array<i32>} : memref<160x128xf32, #tpu.memory_space<vmem>>, vector<1x16xf32>,
      %swap3A_120 = vector.shape_cast %swap3A_119 : vector<1x16xf32> to vector<16xf32>
      %swap3A_121 = vector.shape_cast %broadcast_in_dim3A_116 : vector<16xf32> to vector<1x16xf32>
      tpu.vector_store %arg8[%swap3A_117, %swap3A_118], %swap3A_121 {strides = array<i32>} : memref<160x128xf32, #tpu.memory_space<vmem>>, vector<1x16xf32>,
    }
    %scan3A_4 = arith.constant 80 : i32
    %mul3A_5 = arith.constant 640 : i32
    %mul3A_6 = arith.muli %arg1, %mul3A_5 : i32
    %add3A_7 = arith.constant 0 : i32
    %add3A_8 = arith.addi %mul3A_6, %add3A_7 : i32
    "tpu.region"() ({
      %run_scoped3A = tpu.sem_alloc : memref<!tpu.dma_semaphore, #tpu.memory_space<semaphore_mem>>
      %dma_start3A_67 = arith.constant 0 : i32
      %dma_start3A_68 = arith.constant 0 : i32
      %dma_start3A_69 = tpu.memref_slice %arg8[%dma_start3A_67, %dma_start3A_68] : memref<160x128xf32, #tpu.memory_space<vmem>> -> memref<80x128xf32, #tpu.memory_space<vmem>>
      %dma_start3A_70 = arith.constant 0 : i32
      %dma_start3A_71 = tpu.memref_slice %arg11[%add3A_8, %dma_start3A_70] : memref<10240x128xf32, #tpu.memory_space<vmem_shared>> -> memref<80x128xf32, #tpu.memory_space<vmem_shared>>
      %dma_start3A_72 = arith.constant 0 : i32
      %dma_start3A_73 = tpu.memref_slice %arg11[%add3A_8, %dma_start3A_72] : memref<10240x128xf32, #tpu.memory_space<vmem_shared>> -> memref<80x128xf32, #tpu.memory_space<vmem_shared>>
      %dma_start3A_74 = arith.constant 0 : i32
      %dma_start3A_75 = arith.constant 0 : i32
      %dma_start3A_76 = tpu.memref_slice %arg8[%dma_start3A_74, %dma_start3A_75] : memref<160x128xf32, #tpu.memory_space<vmem>> -> memref<80x128xf32, #tpu.memory_space<vmem>>
      tpu.enqueue_dma source(%dma_start3A_76 : memref<80x128xf32, #tpu.memory_space<vmem>>) target(%dma_start3A_73 : memref<80x128xf32, #tpu.memory_space<vmem_shared>>) target_semaphore(%run_scoped3A : memref<!tpu.dma_semaphore, #tpu.memory_space<semaphore_mem>>)
      %dma_wait3A = arith.constant 0 : i32
      %dma_wait3A_77 = arith.constant 0 : i32
      %dma_wait3A_78 = tpu.memref_slice %arg8[%dma_wait3A, %dma_wait3A_77] : memref<160x128xf32, #tpu.memory_space<vmem>> -> memref<80x128xf32, #tpu.memory_space<vmem>>
      %dma_wait3A_79 = arith.constant 0 : i32
      %dma_wait3A_80 = tpu.memref_slice %arg11[%add3A_8, %dma_wait3A_79] : memref<10240x128xf32, #tpu.memory_space<vmem_shared>> -> memref<80x128xf32, #tpu.memory_space<vmem_shared>>
      %dma_wait3A_81 = arith.constant 0 : i32
      %dma_wait3A_82 = tpu.memref_slice %arg11[%add3A_8, %dma_wait3A_81] : memref<10240x128xf32, #tpu.memory_space<vmem_shared>> -> memref<80x128xf32, #tpu.memory_space<vmem_shared>>
      %dma_wait3A_83 = arith.constant 0 : i32
      %dma_wait3A_84 = arith.constant 0 : i32
      %dma_wait3A_85 = tpu.memref_slice %arg8[%dma_wait3A_83, %dma_wait3A_84] : memref<160x128xf32, #tpu.memory_space<vmem>> -> memref<80x128xf32, #tpu.memory_space<vmem>>
      tpu.wait_dma2 semaphore(%run_scoped3A : memref<!tpu.dma_semaphore, #tpu.memory_space<semaphore_mem>>) src(%dma_wait3A_85 : memref<80x128xf32, #tpu.memory_space<vmem>>) dst(%dma_wait3A_82 : memref<80x128xf32, #tpu.memory_space<vmem_shared>>)
      tpu.yield
    }) : () -> ()
    %mul3A_9 = arith.constant 640 : i32
    %mul3A_10 = arith.muli %arg1, %mul3A_9 : i32
    %add3A_11 = arith.constant 80 : i32
    %add3A_12 = arith.addi %mul3A_10, %add3A_11 : i32
    "tpu.region"() ({
      %run_scoped3A = tpu.sem_alloc : memref<!tpu.dma_semaphore, #tpu.memory_space<semaphore_mem>>
      %dma_start3A_67 = arith.constant 0 : i32
      %dma_start3A_68 = arith.constant 0 : i32
      %dma_start3A_69 = tpu.memref_slice %arg8[%dma_start3A_67, %dma_start3A_68] : memref<160x128xf32, #tpu.memory_space<vmem>> -> memref<80x128xf32, #tpu.memory_space<vmem>>
      %dma_start3A_70 = arith.constant 0 : i32
      %dma_start3A_71 = tpu.memref_slice %arg11[%add3A_12, %dma_start3A_70] : memref<10240x128xf32, #tpu.memory_space<vmem_shared>> -> memref<80x128xf32, #tpu.memory_space<vmem_shared>>
      %dma_start3A_72 = arith.constant 0 : i32
      %dma_start3A_73 = tpu.memref_slice %arg11[%add3A_12, %dma_start3A_72] : memref<10240x128xf32, #tpu.memory_space<vmem_shared>> -> memref<80x128xf32, #tpu.memory_space<vmem_shared>>
      %dma_start3A_74 = arith.constant 0 : i32
      %dma_start3A_75 = arith.constant 0 : i32
      %dma_start3A_76 = tpu.memref_slice %arg8[%dma_start3A_74, %dma_start3A_75] : memref<160x128xf32, #tpu.memory_space<vmem>> -> memref<80x128xf32, #tpu.memory_space<vmem>>
      tpu.enqueue_dma source(%dma_start3A_76 : memref<80x128xf32, #tpu.memory_space<vmem>>) target(%dma_start3A_73 : memref<80x128xf32, #tpu.memory_space<vmem_shared>>) target_semaphore(%run_scoped3A : memref<!tpu.dma_semaphore, #tpu.memory_space<semaphore_mem>>)
      %dma_wait3A = arith.constant 0 : i32
      %dma_wait3A_77 = arith.constant 0 : i32
      %dma_wait3A_78 = tpu.memref_slice %arg8[%dma_wait3A, %dma_wait3A_77] : memref<160x128xf32, #tpu.memory_space<vmem>> -> memref<80x128xf32, #tpu.memory_space<vmem>>
      %dma_wait3A_79 = arith.constant 0 : i32
      %dma_wait3A_80 = tpu.memref_slice %arg11[%add3A_12, %dma_wait3A_79] : memref<10240x128xf32, #tpu.memory_space<vmem_shared>> -> memref<80x128xf32, #tpu.memory_space<vmem_shared>>
      %dma_wait3A_81 = arith.constant 0 : i32
      %dma_wait3A_82 = tpu.memref_slice %arg11[%add3A_12, %dma_wait3A_81] : memref<10240x128xf32, #tpu.memory_space<vmem_shared>> -> memref<80x128xf32, #tpu.memory_space<vmem_shared>>
      %dma_wait3A_83 = arith.constant 0 : i32
      %dma_wait3A_84 = arith.constant 0 : i32
      %dma_wait3A_85 = tpu.memref_slice %arg8[%dma_wait3A_83, %dma_wait3A_84] : memref<160x128xf32, #tpu.memory_space<vmem>> -> memref<80x128xf32, #tpu.memory_space<vmem>>
      tpu.wait_dma2 semaphore(%run_scoped3A : memref<!tpu.dma_semaphore, #tpu.memory_space<semaphore_mem>>) src(%dma_wait3A_85 : memref<80x128xf32, #tpu.memory_space<vmem>>) dst(%dma_wait3A_82 : memref<80x128xf32, #tpu.memory_space<vmem_shared>>)
      tpu.yield
    }) : () -> ()
    %mul3A_13 = arith.constant 640 : i32
    %mul3A_14 = arith.muli %arg1, %mul3A_13 : i32
    %add3A_15 = arith.constant 160 : i32
    %add3A_16 = arith.addi %mul3A_14, %add3A_15 : i32
    "tpu.region"() ({
      %run_scoped3A = tpu.sem_alloc : memref<!tpu.dma_semaphore, #tpu.memory_space<semaphore_mem>>
      %dma_start3A_67 = arith.constant 0 : i32
      %dma_start3A_68 = arith.constant 0 : i32
      %dma_start3A_69 = tpu.memref_slice %arg8[%dma_start3A_67, %dma_start3A_68] : memref<160x128xf32, #tpu.memory_space<vmem>> -> memref<80x128xf32, #tpu.memory_space<vmem>>
      %dma_start3A_70 = arith.constant 0 : i32
      %dma_start3A_71 = tpu.memref_slice %arg11[%add3A_16, %dma_start3A_70] : memref<10240x128xf32, #tpu.memory_space<vmem_shared>> -> memref<80x128xf32, #tpu.memory_space<vmem_shared>>
      %dma_start3A_72 = arith.constant 0 : i32
      %dma_start3A_73 = tpu.memref_slice %arg11[%add3A_16, %dma_start3A_72] : memref<10240x128xf32, #tpu.memory_space<vmem_shared>> -> memref<80x128xf32, #tpu.memory_space<vmem_shared>>
      %dma_start3A_74 = arith.constant 0 : i32
      %dma_start3A_75 = arith.constant 0 : i32
      %dma_start3A_76 = tpu.memref_slice %arg8[%dma_start3A_74, %dma_start3A_75] : memref<160x128xf32, #tpu.memory_space<vmem>> -> memref<80x128xf32, #tpu.memory_space<vmem>>
      tpu.enqueue_dma source(%dma_start3A_76 : memref<80x128xf32, #tpu.memory_space<vmem>>) target(%dma_start3A_73 : memref<80x128xf32, #tpu.memory_space<vmem_shared>>) target_semaphore(%run_scoped3A : memref<!tpu.dma_semaphore, #tpu.memory_space<semaphore_mem>>)
      %dma_wait3A = arith.constant 0 : i32
      %dma_wait3A_77 = arith.constant 0 : i32
      %dma_wait3A_78 = tpu.memref_slice %arg8[%dma_wait3A, %dma_wait3A_77] : memref<160x128xf32, #tpu.memory_space<vmem>> -> memref<80x128xf32, #tpu.memory_space<vmem>>
      %dma_wait3A_79 = arith.constant 0 : i32
      %dma_wait3A_80 = tpu.memref_slice %arg11[%add3A_16, %dma_wait3A_79] : memref<10240x128xf32, #tpu.memory_space<vmem_shared>> -> memref<80x128xf32, #tpu.memory_space<vmem_shared>>
      %dma_wait3A_81 = arith.constant 0 : i32
      %dma_wait3A_82 = tpu.memref_slice %arg11[%add3A_16, %dma_wait3A_81] : memref<10240x128xf32, #tpu.memory_space<vmem_shared>> -> memref<80x128xf32, #tpu.memory_space<vmem_shared>>
      %dma_wait3A_83 = arith.constant 0 : i32
      %dma_wait3A_84 = arith.constant 0 : i32
      %dma_wait3A_85 = tpu.memref_slice %arg8[%dma_wait3A_83, %dma_wait3A_84] : memref<160x128xf32, #tpu.memory_space<vmem>> -> memref<80x128xf32, #tpu.memory_space<vmem>>
      tpu.wait_dma2 semaphore(%run_scoped3A : memref<!tpu.dma_semaphore, #tpu.memory_space<semaphore_mem>>) src(%dma_wait3A_85 : memref<80x128xf32, #tpu.memory_space<vmem>>) dst(%dma_wait3A_82 : memref<80x128xf32, #tpu.memory_space<vmem_shared>>)
      tpu.yield
    }) : () -> ()
    %mul3A_17 = arith.constant 640 : i32
    %mul3A_18 = arith.muli %arg1, %mul3A_17 : i32
    %add3A_19 = arith.constant 240 : i32
    %add3A_20 = arith.addi %mul3A_18, %add3A_19 : i32
    "tpu.region"() ({
      %run_scoped3A = tpu.sem_alloc : memref<!tpu.dma_semaphore, #tpu.memory_space<semaphore_mem>>
      %dma_start3A_67 = arith.constant 0 : i32
      %dma_start3A_68 = arith.constant 0 : i32
      %dma_start3A_69 = tpu.memref_slice %arg8[%dma_start3A_67, %dma_start3A_68] : memref<160x128xf32, #tpu.memory_space<vmem>> -> memref<80x128xf32, #tpu.memory_space<vmem>>
      %dma_start3A_70 = arith.constant 0 : i32
      %dma_start3A_71 = tpu.memref_slice %arg11[%add3A_20, %dma_start3A_70] : memref<10240x128xf32, #tpu.memory_space<vmem_shared>> -> memref<80x128xf32, #tpu.memory_space<vmem_shared>>
      %dma_start3A_72 = arith.constant 0 : i32
      %dma_start3A_73 = tpu.memref_slice %arg11[%add3A_20, %dma_start3A_72] : memref<10240x128xf32, #tpu.memory_space<vmem_shared>> -> memref<80x128xf32, #tpu.memory_space<vmem_shared>>
      %dma_start3A_74 = arith.constant 0 : i32
      %dma_start3A_75 = arith.constant 0 : i32
      %dma_start3A_76 = tpu.memref_slice %arg8[%dma_start3A_74, %dma_start3A_75] : memref<160x128xf32, #tpu.memory_space<vmem>> -> memref<80x128xf32, #tpu.memory_space<vmem>>
      tpu.enqueue_dma source(%dma_start3A_76 : memref<80x128xf32, #tpu.memory_space<vmem>>) target(%dma_start3A_73 : memref<80x128xf32, #tpu.memory_space<vmem_shared>>) target_semaphore(%run_scoped3A : memref<!tpu.dma_semaphore, #tpu.memory_space<semaphore_mem>>)
      %dma_wait3A = arith.constant 0 : i32
      %dma_wait3A_77 = arith.constant 0 : i32
      %dma_wait3A_78 = tpu.memref_slice %arg8[%dma_wait3A, %dma_wait3A_77] : memref<160x128xf32, #tpu.memory_space<vmem>> -> memref<80x128xf32, #tpu.memory_space<vmem>>
      %dma_wait3A_79 = arith.constant 0 : i32
      %dma_wait3A_80 = tpu.memref_slice %arg11[%add3A_20, %dma_wait3A_79] : memref<10240x128xf32, #tpu.memory_space<vmem_shared>> -> memref<80x128xf32, #tpu.memory_space<vmem_shared>>
      %dma_wait3A_81 = arith.constant 0 : i32
      %dma_wait3A_82 = tpu.memref_slice %arg11[%add3A_20, %dma_wait3A_81] : memref<10240x128xf32, #tpu.memory_space<vmem_shared>> -> memref<80x128xf32, #tpu.memory_space<vmem_shared>>
      %dma_wait3A_83 = arith.constant 0 : i32
      %dma_wait3A_84 = arith.constant 0 : i32
      %dma_wait3A_85 = tpu.memref_slice %arg8[%dma_wait3A_83, %dma_wait3A_84] : memref<160x128xf32, #tpu.memory_space<vmem>> -> memref<80x128xf32, #tpu.memory_space<vmem>>
      tpu.wait_dma2 semaphore(%run_scoped3A : memref<!tpu.dma_semaphore, #tpu.memory_space<semaphore_mem>>) src(%dma_wait3A_85 : memref<80x128xf32, #tpu.memory_space<vmem>>) dst(%dma_wait3A_82 : memref<80x128xf32, #tpu.memory_space<vmem_shared>>)
      tpu.yield
    }) : () -> ()
    %mul3A_21 = arith.constant 640 : i32
    %mul3A_22 = arith.muli %arg1, %mul3A_21 : i32
    %add3A_23 = arith.constant 320 : i32
    %add3A_24 = arith.addi %mul3A_22, %add3A_23 : i32
    "tpu.region"() ({
      %run_scoped3A = tpu.sem_alloc : memref<!tpu.dma_semaphore, #tpu.memory_space<semaphore_mem>>
      %dma_start3A_67 = arith.constant 0 : i32
      %dma_start3A_68 = arith.constant 0 : i32
      %dma_start3A_69 = tpu.memref_slice %arg8[%dma_start3A_67, %dma_start3A_68] : memref<160x128xf32, #tpu.memory_space<vmem>> -> memref<80x128xf32, #tpu.memory_space<vmem>>
      %dma_start3A_70 = arith.constant 0 : i32
      %dma_start3A_71 = tpu.memref_slice %arg11[%add3A_24, %dma_start3A_70] : memref<10240x128xf32, #tpu.memory_space<vmem_shared>> -> memref<80x128xf32, #tpu.memory_space<vmem_shared>>
      %dma_start3A_72 = arith.constant 0 : i32
      %dma_start3A_73 = tpu.memref_slice %arg11[%add3A_24, %dma_start3A_72] : memref<10240x128xf32, #tpu.memory_space<vmem_shared>> -> memref<80x128xf32, #tpu.memory_space<vmem_shared>>
      %dma_start3A_74 = arith.constant 0 : i32
      %dma_start3A_75 = arith.constant 0 : i32
      %dma_start3A_76 = tpu.memref_slice %arg8[%dma_start3A_74, %dma_start3A_75] : memref<160x128xf32, #tpu.memory_space<vmem>> -> memref<80x128xf32, #tpu.memory_space<vmem>>
      tpu.enqueue_dma source(%dma_start3A_76 : memref<80x128xf32, #tpu.memory_space<vmem>>) target(%dma_start3A_73 : memref<80x128xf32, #tpu.memory_space<vmem_shared>>) target_semaphore(%run_scoped3A : memref<!tpu.dma_semaphore, #tpu.memory_space<semaphore_mem>>)
      %dma_wait3A = arith.constant 0 : i32
      %dma_wait3A_77 = arith.constant 0 : i32
      %dma_wait3A_78 = tpu.memref_slice %arg8[%dma_wait3A, %dma_wait3A_77] : memref<160x128xf32, #tpu.memory_space<vmem>> -> memref<80x128xf32, #tpu.memory_space<vmem>>
      %dma_wait3A_79 = arith.constant 0 : i32
      %dma_wait3A_80 = tpu.memref_slice %arg11[%add3A_24, %dma_wait3A_79] : memref<10240x128xf32, #tpu.memory_space<vmem_shared>> -> memref<80x128xf32, #tpu.memory_space<vmem_shared>>
      %dma_wait3A_81 = arith.constant 0 : i32
      %dma_wait3A_82 = tpu.memref_slice %arg11[%add3A_24, %dma_wait3A_81] : memref<10240x128xf32, #tpu.memory_space<vmem_shared>> -> memref<80x128xf32, #tpu.memory_space<vmem_shared>>
      %dma_wait3A_83 = arith.constant 0 : i32
      %dma_wait3A_84 = arith.constant 0 : i32
      %dma_wait3A_85 = tpu.memref_slice %arg8[%dma_wait3A_83, %dma_wait3A_84] : memref<160x128xf32, #tpu.memory_space<vmem>> -> memref<80x128xf32, #tpu.memory_space<vmem>>
      tpu.wait_dma2 semaphore(%run_scoped3A : memref<!tpu.dma_semaphore, #tpu.memory_space<semaphore_mem>>) src(%dma_wait3A_85 : memref<80x128xf32, #tpu.memory_space<vmem>>) dst(%dma_wait3A_82 : memref<80x128xf32, #tpu.memory_space<vmem_shared>>)
      tpu.yield
    }) : () -> ()
    %mul3A_25 = arith.constant 640 : i32
    %mul3A_26 = arith.muli %arg1, %mul3A_25 : i32
    %add3A_27 = arith.constant 400 : i32
    %add3A_28 = arith.addi %mul3A_26, %add3A_27 : i32
    "tpu.region"() ({
      %run_scoped3A = tpu.sem_alloc : memref<!tpu.dma_semaphore, #tpu.memory_space<semaphore_mem>>
      %dma_start3A_67 = arith.constant 0 : i32
      %dma_start3A_68 = arith.constant 0 : i32
      %dma_start3A_69 = tpu.memref_slice %arg8[%dma_start3A_67, %dma_start3A_68] : memref<160x128xf32, #tpu.memory_space<vmem>> -> memref<80x128xf32, #tpu.memory_space<vmem>>
      %dma_start3A_70 = arith.constant 0 : i32
      %dma_start3A_71 = tpu.memref_slice %arg11[%add3A_28, %dma_start3A_70] : memref<10240x128xf32, #tpu.memory_space<vmem_shared>> -> memref<80x128xf32, #tpu.memory_space<vmem_shared>>
      %dma_start3A_72 = arith.constant 0 : i32
      %dma_start3A_73 = tpu.memref_slice %arg11[%add3A_28, %dma_start3A_72] : memref<10240x128xf32, #tpu.memory_space<vmem_shared>> -> memref<80x128xf32, #tpu.memory_space<vmem_shared>>
      %dma_start3A_74 = arith.constant 0 : i32
      %dma_start3A_75 = arith.constant 0 : i32
      %dma_start3A_76 = tpu.memref_slice %arg8[%dma_start3A_74, %dma_start3A_75] : memref<160x128xf32, #tpu.memory_space<vmem>> -> memref<80x128xf32, #tpu.memory_space<vmem>>
      tpu.enqueue_dma source(%dma_start3A_76 : memref<80x128xf32, #tpu.memory_space<vmem>>) target(%dma_start3A_73 : memref<80x128xf32, #tpu.memory_space<vmem_shared>>) target_semaphore(%run_scoped3A : memref<!tpu.dma_semaphore, #tpu.memory_space<semaphore_mem>>)
      %dma_wait3A = arith.constant 0 : i32
      %dma_wait3A_77 = arith.constant 0 : i32
      %dma_wait3A_78 = tpu.memref_slice %arg8[%dma_wait3A, %dma_wait3A_77] : memref<160x128xf32, #tpu.memory_space<vmem>> -> memref<80x128xf32, #tpu.memory_space<vmem>>
      %dma_wait3A_79 = arith.constant 0 : i32
      %dma_wait3A_80 = tpu.memref_slice %arg11[%add3A_28, %dma_wait3A_79] : memref<10240x128xf32, #tpu.memory_space<vmem_shared>> -> memref<80x128xf32, #tpu.memory_space<vmem_shared>>
      %dma_wait3A_81 = arith.constant 0 : i32
      %dma_wait3A_82 = tpu.memref_slice %arg11[%add3A_28, %dma_wait3A_81] : memref<10240x128xf32, #tpu.memory_space<vmem_shared>> -> memref<80x128xf32, #tpu.memory_space<vmem_shared>>
      %dma_wait3A_83 = arith.constant 0 : i32
      %dma_wait3A_84 = arith.constant 0 : i32
      %dma_wait3A_85 = tpu.memref_slice %arg8[%dma_wait3A_83, %dma_wait3A_84] : memref<160x128xf32, #tpu.memory_space<vmem>> -> memref<80x128xf32, #tpu.memory_space<vmem>>
      tpu.wait_dma2 semaphore(%run_scoped3A : memref<!tpu.dma_semaphore, #tpu.memory_space<semaphore_mem>>) src(%dma_wait3A_85 : memref<80x128xf32, #tpu.memory_space<vmem>>) dst(%dma_wait3A_82 : memref<80x128xf32, #tpu.memory_space<vmem_shared>>)
      tpu.yield
    }) : () -> ()
    %mul3A_29 = arith.constant 640 : i32
    %mul3A_30 = arith.muli %arg1, %mul3A_29 : i32
    %add3A_31 = arith.constant 480 : i32
    %add3A_32 = arith.addi %mul3A_30, %add3A_31 : i32
    "tpu.region"() ({
      %run_scoped3A = tpu.sem_alloc : memref<!tpu.dma_semaphore, #tpu.memory_space<semaphore_mem>>
      %dma_start3A_67 = arith.constant 0 : i32
      %dma_start3A_68 = arith.constant 0 : i32
      %dma_start3A_69 = tpu.memref_slice %arg8[%dma_start3A_67, %dma_start3A_68] : memref<160x128xf32, #tpu.memory_space<vmem>> -> memref<80x128xf32, #tpu.memory_space<vmem>>
      %dma_start3A_70 = arith.constant 0 : i32
      %dma_start3A_71 = tpu.memref_slice %arg11[%add3A_32, %dma_start3A_70] : memref<10240x128xf32, #tpu.memory_space<vmem_shared>> -> memref<80x128xf32, #tpu.memory_space<vmem_shared>>
      %dma_start3A_72 = arith.constant 0 : i32
      %dma_start3A_73 = tpu.memref_slice %arg11[%add3A_32, %dma_start3A_72] : memref<10240x128xf32, #tpu.memory_space<vmem_shared>> -> memref<80x128xf32, #tpu.memory_space<vmem_shared>>
      %dma_start3A_74 = arith.constant 0 : i32
      %dma_start3A_75 = arith.constant 0 : i32
      %dma_start3A_76 = tpu.memref_slice %arg8[%dma_start3A_74, %dma_start3A_75] : memref<160x128xf32, #tpu.memory_space<vmem>> -> memref<80x128xf32, #tpu.memory_space<vmem>>
      tpu.enqueue_dma source(%dma_start3A_76 : memref<80x128xf32, #tpu.memory_space<vmem>>) target(%dma_start3A_73 : memref<80x128xf32, #tpu.memory_space<vmem_shared>>) target_semaphore(%run_scoped3A : memref<!tpu.dma_semaphore, #tpu.memory_space<semaphore_mem>>)
      %dma_wait3A = arith.constant 0 : i32
      %dma_wait3A_77 = arith.constant 0 : i32
      %dma_wait3A_78 = tpu.memref_slice %arg8[%dma_wait3A, %dma_wait3A_77] : memref<160x128xf32, #tpu.memory_space<vmem>> -> memref<80x128xf32, #tpu.memory_space<vmem>>
      %dma_wait3A_79 = arith.constant 0 : i32
      %dma_wait3A_80 = tpu.memref_slice %arg11[%add3A_32, %dma_wait3A_79] : memref<10240x128xf32, #tpu.memory_space<vmem_shared>> -> memref<80x128xf32, #tpu.memory_space<vmem_shared>>
      %dma_wait3A_81 = arith.constant 0 : i32
      %dma_wait3A_82 = tpu.memref_slice %arg11[%add3A_32, %dma_wait3A_81] : memref<10240x128xf32, #tpu.memory_space<vmem_shared>> -> memref<80x128xf32, #tpu.memory_space<vmem_shared>>
      %dma_wait3A_83 = arith.constant 0 : i32
      %dma_wait3A_84 = arith.constant 0 : i32
      %dma_wait3A_85 = tpu.memref_slice %arg8[%dma_wait3A_83, %dma_wait3A_84] : memref<160x128xf32, #tpu.memory_space<vmem>> -> memref<80x128xf32, #tpu.memory_space<vmem>>
      tpu.wait_dma2 semaphore(%run_scoped3A : memref<!tpu.dma_semaphore, #tpu.memory_space<semaphore_mem>>) src(%dma_wait3A_85 : memref<80x128xf32, #tpu.memory_space<vmem>>) dst(%dma_wait3A_82 : memref<80x128xf32, #tpu.memory_space<vmem_shared>>)
      tpu.yield
    }) : () -> ()
    %mul3A_33 = arith.constant 640 : i32
    %mul3A_34 = arith.muli %arg1, %mul3A_33 : i32
    %add3A_35 = arith.constant 560 : i32
    %add3A_36 = arith.addi %mul3A_34, %add3A_35 : i32
    "tpu.region"() ({
      %run_scoped3A = tpu.sem_alloc : memref<!tpu.dma_semaphore, #tpu.memory_space<semaphore_mem>>
      %dma_start3A_67 = arith.constant 0 : i32
      %dma_start3A_68 = arith.constant 0 : i32
      %dma_start3A_69 = tpu.memref_slice %arg8[%dma_start3A_67, %dma_start3A_68] : memref<160x128xf32, #tpu.memory_space<vmem>> -> memref<80x128xf32, #tpu.memory_space<vmem>>
      %dma_start3A_70 = arith.constant 0 : i32
      %dma_start3A_71 = tpu.memref_slice %arg11[%add3A_36, %dma_start3A_70] : memref<10240x128xf32, #tpu.memory_space<vmem_shared>> -> memref<80x128xf32, #tpu.memory_space<vmem_shared>>
      %dma_start3A_72 = arith.constant 0 : i32
      %dma_start3A_73 = tpu.memref_slice %arg11[%add3A_36, %dma_start3A_72] : memref<10240x128xf32, #tpu.memory_space<vmem_shared>> -> memref<80x128xf32, #tpu.memory_space<vmem_shared>>
      %dma_start3A_74 = arith.constant 0 : i32
      %dma_start3A_75 = arith.constant 0 : i32
      %dma_start3A_76 = tpu.memref_slice %arg8[%dma_start3A_74, %dma_start3A_75] : memref<160x128xf32, #tpu.memory_space<vmem>> -> memref<80x128xf32, #tpu.memory_space<vmem>>
      tpu.enqueue_dma source(%dma_start3A_76 : memref<80x128xf32, #tpu.memory_space<vmem>>) target(%dma_start3A_73 : memref<80x128xf32, #tpu.memory_space<vmem_shared>>) target_semaphore(%run_scoped3A : memref<!tpu.dma_semaphore, #tpu.memory_space<semaphore_mem>>)
      %dma_wait3A = arith.constant 0 : i32
      %dma_wait3A_77 = arith.constant 0 : i32
      %dma_wait3A_78 = tpu.memref_slice %arg8[%dma_wait3A, %dma_wait3A_77] : memref<160x128xf32, #tpu.memory_space<vmem>> -> memref<80x128xf32, #tpu.memory_space<vmem>>
      %dma_wait3A_79 = arith.constant 0 : i32
      %dma_wait3A_80 = tpu.memref_slice %arg11[%add3A_36, %dma_wait3A_79] : memref<10240x128xf32, #tpu.memory_space<vmem_shared>> -> memref<80x128xf32, #tpu.memory_space<vmem_shared>>
      %dma_wait3A_81 = arith.constant 0 : i32
      %dma_wait3A_82 = tpu.memref_slice %arg11[%add3A_36, %dma_wait3A_81] : memref<10240x128xf32, #tpu.memory_space<vmem_shared>> -> memref<80x128xf32, #tpu.memory_space<vmem_shared>>
      %dma_wait3A_83 = arith.constant 0 : i32
      %dma_wait3A_84 = arith.constant 0 : i32
      %dma_wait3A_85 = tpu.memref_slice %arg8[%dma_wait3A_83, %dma_wait3A_84] : memref<160x128xf32, #tpu.memory_space<vmem>> -> memref<80x128xf32, #tpu.memory_space<vmem>>
      tpu.wait_dma2 semaphore(%run_scoped3A : memref<!tpu.dma_semaphore, #tpu.memory_space<semaphore_mem>>) src(%dma_wait3A_85 : memref<80x128xf32, #tpu.memory_space<vmem>>) dst(%dma_wait3A_82 : memref<80x128xf32, #tpu.memory_space<vmem_shared>>)
      tpu.yield
    }) : () -> ()
    %barrier3A = arith.constant 0 : index
    tpu.barrier barrier_id(%barrier3A)
    %mul3A_37 = arith.constant 10000 : i32
    %mul3A_38 = arith.muli %add3A, %mul3A_37 : i32
    "tpu.region"() ({
      %run_scoped3A = tpu.sem_alloc : memref<!tpu.dma_semaphore, #tpu.memory_space<semaphore_mem>>
      %dma_start3A_67 = tpu.memref_slice %arg3[%mul3A_38] : memref<320000xi32, #tpu.memory_space<hbm>> -> memref<10000xi32, #tpu.memory_space<hbm>>
      %dma_start3A_68 = tpu.memref_slice %arg3[%mul3A_38] : memref<320000xi32, #tpu.memory_space<hbm>> -> memref<10000xi32, #tpu.memory_space<hbm>>
      tpu.enqueue_dma source(%dma_start3A_68 : memref<10000xi32, #tpu.memory_space<hbm>>) target(%arg6 : memref<10000xi32, #tpu.memory_space<vmem>>) target_semaphore(%run_scoped3A : memref<!tpu.dma_semaphore, #tpu.memory_space<semaphore_mem>>)
      %dma_wait3A = tpu.memref_slice %arg3[%mul3A_38] : memref<320000xi32, #tpu.memory_space<hbm>> -> memref<10000xi32, #tpu.memory_space<hbm>>
      %dma_wait3A_69 = tpu.memref_slice %arg3[%mul3A_38] : memref<320000xi32, #tpu.memory_space<hbm>> -> memref<10000xi32, #tpu.memory_space<hbm>>
      tpu.wait_dma2 semaphore(%run_scoped3A : memref<!tpu.dma_semaphore, #tpu.memory_space<semaphore_mem>>) src(%dma_wait3A_69 : memref<10000xi32, #tpu.memory_space<hbm>>) dst(%arg6 : memref<10000xi32, #tpu.memory_space<vmem>>)
      tpu.yield
    }) : () -> ()
    %mul3A_39 = arith.constant 1 : i32
    %mul3A_40 = arith.muli %add3A, %mul3A_39 : i32
    %add3A_41 = arith.constant 0 : i32
    %add3A_42 = arith.addi %mul3A_40, %add3A_41 : i32
    "tpu.region"() ({
      %run_scoped3A = tpu.sem_alloc : memref<!tpu.dma_semaphore, #tpu.memory_space<semaphore_mem>>
      %dma_start3A_67 = arith.constant 0 : i32
      %dma_start3A_68 = arith.constant 0 : i32
      %dma_start3A_69 = tpu.memref_slice %arg4[%add3A_42, %dma_start3A_67, %dma_start3A_68] : memref<32x125x80xi32, #tpu.memory_space<hbm>> -> memref<1x125x80xi32, #tpu.memory_space<hbm>>
      %dma_start3A_70 = tpu.memref_squeeze %dma_start3A_69 : memref<1x125x80xi32, #tpu.memory_space<hbm>> -> memref<125x80xi32, #tpu.memory_space<hbm>>
      %dma_start3A_71 = arith.constant 0 : i32
      %dma_start3A_72 = arith.constant 0 : i32
      %dma_start3A_73 = tpu.memref_slice %arg4[%add3A_42, %dma_start3A_71, %dma_start3A_72] : memref<32x125x80xi32, #tpu.memory_space<hbm>> -> memref<1x125x80xi32, #tpu.memory_space<hbm>>
      %dma_start3A_74 = tpu.memref_squeeze %dma_start3A_73 : memref<1x125x80xi32, #tpu.memory_space<hbm>> -> memref<125x80xi32, #tpu.memory_space<hbm>>
      tpu.enqueue_dma source(%dma_start3A_74 : memref<125x80xi32, #tpu.memory_space<hbm>>) target(%arg7 : memref<125x80xi32, #tpu.memory_space<vmem>>) target_semaphore(%run_scoped3A : memref<!tpu.dma_semaphore, #tpu.memory_space<semaphore_mem>>)
      %dma_wait3A = arith.constant 0 : i32
      %dma_wait3A_75 = arith.constant 0 : i32
      %dma_wait3A_76 = tpu.memref_slice %arg4[%add3A_42, %dma_wait3A, %dma_wait3A_75] : memref<32x125x80xi32, #tpu.memory_space<hbm>> -> memref<1x125x80xi32, #tpu.memory_space<hbm>>
      %dma_wait3A_77 = tpu.memref_squeeze %dma_wait3A_76 : memref<1x125x80xi32, #tpu.memory_space<hbm>> -> memref<125x80xi32, #tpu.memory_space<hbm>>
      %dma_wait3A_78 = arith.constant 0 : i32
      %dma_wait3A_79 = arith.constant 0 : i32
      %dma_wait3A_80 = tpu.memref_slice %arg4[%add3A_42, %dma_wait3A_78, %dma_wait3A_79] : memref<32x125x80xi32, #tpu.memory_space<hbm>> -> memref<1x125x80xi32, #tpu.memory_space<hbm>>
      %dma_wait3A_81 = tpu.memref_squeeze %dma_wait3A_80 : memref<1x125x80xi32, #tpu.memory_space<hbm>> -> memref<125x80xi32, #tpu.memory_space<hbm>>
      tpu.wait_dma2 semaphore(%run_scoped3A : memref<!tpu.dma_semaphore, #tpu.memory_space<semaphore_mem>>) src(%dma_wait3A_81 : memref<125x80xi32, #tpu.memory_space<hbm>>) dst(%arg7 : memref<125x80xi32, #tpu.memory_space<vmem>>)
      tpu.yield
    }) : () -> ()
    %multiple_of3A = arith.constant 0 : i32
    %multiple_of3A_43 = tpu.assume_multiple %multiple_of3A, 8 : i32
    %rem3A = arith.constant 0 : i32
    %rem3A_44 = arith.constant 2 : i32
    %rem3A_45 = arith.remsi %rem3A, %rem3A_44 : i32
    %mul3A_46 = arith.constant 80 : i32
    %mul3A_47 = arith.muli %rem3A_45, %mul3A_46 : i32
    %multiple_of3A_48 = tpu.assume_multiple %mul3A_47, 80 : i32
    %dma_start3A = arith.constant 0 : i32
    %dma_start3A_49 = tpu.memref_slice %arg8[%multiple_of3A_48, %dma_start3A] : memref<160x128xf32, #tpu.memory_space<vmem>> -> memref<80x128xf32, #tpu.memory_space<vmem>>
    %dma_start3A_50 = tpu.memref_slice %arg6[%multiple_of3A_43] : memref<10000xi32, #tpu.memory_space<vmem>> -> memref<80xi32, #tpu.memory_space<vmem>>
    %dma_start3A_51 = arith.constant 0 : i32
    %dma_start3A_52 = arith.constant 0 : i32
    %dma_start3A_53 = tpu.memref_slice %arg2[%dma_start3A_51, %dma_start3A_52] : memref<10000x128xf32, #tpu.memory_space<hbm>> -> memref<10000x128xf32, #tpu.memory_space<hbm>>
    tpu.enqueue_indirect_dma source(%dma_start3A_53 : memref<10000x128xf32, #tpu.memory_space<hbm>>) target(%dma_start3A_49 : memref<80x128xf32, #tpu.memory_space<vmem>>) offsets(%dma_start3A_50 : memref<80xi32, #tpu.memory_space<vmem>>) semaphore(%arg9 : memref<!tpu.dma_semaphore, #tpu.memory_space<semaphore_mem>>)
    %scan3A_54 = arith.constant 0 : i32
    %scan3A_55 = arith.constant 125 : i32
    %scan3A_56 = arith.addi %scan3A_54, %scan3A_55 : i32
    %scan3A_57 = arith.constant 1 : i32
    scf.for %scan3A_67 = %scan3A_54 to %scan3A_56 step %scan3A_57  : i32 {
      %add3A_68 = arith.constant 1 : i32
      %add3A_69 = arith.addi %scan3A_67, %add3A_68 : i32
      %lt3A = arith.constant 125 : i32
      %lt3A_70 = arith.cmpi slt, %add3A_69, %lt3A : i32
      %convert_element_type3A = arith.extui %lt3A_70 : i1 to i32
      %cond3A = arith.constant 0 : i32
      %cond3A_71 = arith.cmpi ne, %convert_element_type3A, %cond3A : i32
      scf.if %cond3A_71 {
        %add3A_101 = arith.constant 1 : i32
        %add3A_102 = arith.addi %scan3A_67, %add3A_101 : i32
        %mul3A_103 = arith.constant 80 : i32
        %mul3A_104 = arith.muli %add3A_102, %mul3A_103 : i32
        %multiple_of3A_105 = tpu.assume_multiple %mul3A_104, 8 : i32
        %rem3A_106 = arith.constant 2 : i32
        %rem3A_107 = arith.remsi %add3A_102, %rem3A_106 : i32
        %mul3A_108 = arith.constant 80 : i32
        %mul3A_109 = arith.muli %rem3A_107, %mul3A_108 : i32
        %multiple_of3A_110 = tpu.assume_multiple %mul3A_109, 80 : i32
        %dma_start3A_111 = arith.constant 0 : i32
        %dma_start3A_112 = tpu.memref_slice %arg8[%multiple_of3A_110, %dma_start3A_111] : memref<160x128xf32, #tpu.memory_space<vmem>> -> memref<80x128xf32, #tpu.memory_space<vmem>>
        %dma_start3A_113 = tpu.memref_slice %arg6[%multiple_of3A_105] : memref<10000xi32, #tpu.memory_space<vmem>> -> memref<80xi32, #tpu.memory_space<vmem>>
        %dma_start3A_114 = arith.constant 0 : i32
        %dma_start3A_115 = arith.constant 0 : i32
        %dma_start3A_116 = tpu.memref_slice %arg2[%dma_start3A_114, %dma_start3A_115] : memref<10000x128xf32, #tpu.memory_space<hbm>> -> memref<10000x128xf32, #tpu.memory_space<hbm>>
        tpu.enqueue_indirect_dma source(%dma_start3A_116 : memref<10000x128xf32, #tpu.memory_space<hbm>>) target(%dma_start3A_112 : memref<80x128xf32, #tpu.memory_space<vmem>>) offsets(%dma_start3A_113 : memref<80xi32, #tpu.memory_space<vmem>>) semaphore(%arg9 : memref<!tpu.dma_semaphore, #tpu.memory_space<semaphore_mem>>)
      } else {
      }
      %dma_wait3A = arith.constant 0 : i32
      %dma_wait3A_72 = arith.constant 0 : i32
      %dma_wait3A_73 = tpu.memref_slice %arg8[%dma_wait3A, %dma_wait3A_72] : memref<160x128xf32, #tpu.memory_space<vmem>> -> memref<80x128xf32, #tpu.memory_space<vmem>>
      %dma_wait3A_74 = arith.constant 0 : i32
      %dma_wait3A_75 = tpu.memref_slice %arg6[%dma_wait3A_74] : memref<10000xi32, #tpu.memory_space<vmem>> -> memref<80xi32, #tpu.memory_space<vmem>>
      %dma_wait3A_76 = arith.constant 0 : i32
      %dma_wait3A_77 = arith.constant 0 : i32
      %dma_wait3A_78 = tpu.memref_slice %arg2[%dma_wait3A_76, %dma_wait3A_77] : memref<10000x128xf32, #tpu.memory_space<hbm>> -> memref<10000x128xf32, #tpu.memory_space<hbm>>
      tpu.wait_indirect_dma semaphore(%arg9 : memref<!tpu.dma_semaphore, #tpu.memory_space<semaphore_mem>>) src(%dma_wait3A_78 : memref<10000x128xf32, #tpu.memory_space<hbm>>) dst(%dma_wait3A_73 : memref<80x128xf32, #tpu.memory_space<vmem>>)
      %rem3A_79 = arith.constant 2 : i32
      %rem3A_80 = arith.remsi %scan3A_67, %rem3A_79 : i32
      %mul3A_81 = arith.constant 80 : i32
      %mul3A_82 = arith.muli %rem3A_80, %mul3A_81 : i32
      %multiple_of3A_83 = tpu.assume_multiple %mul3A_82, 80 : i32
      %dma_start3A_84 = arith.constant 0 : i32
      %dma_start3A_85 = tpu.memref_slice %arg8[%multiple_of3A_83, %dma_start3A_84] : memref<160x128xf32, #tpu.memory_space<vmem>> -> memref<80x128xf32, #tpu.memory_space<vmem>>
      %dma_start3A_86 = arith.constant 0 : i32
      %dma_start3A_87 = tpu.memref_slice %arg7[%scan3A_67, %dma_start3A_86] : memref<125x80xi32, #tpu.memory_space<vmem>> -> memref<1x80xi32, #tpu.memory_space<vmem>>
      %dma_start3A_88 = tpu.memref_squeeze %dma_start3A_87 : memref<1x80xi32, #tpu.memory_space<vmem>> -> memref<80xi32, #tpu.memory_space<vmem>>
      %dma_start3A_89 = arith.constant 0 : i32
      %dma_start3A_90 = arith.constant 0 : i32
      %dma_start3A_91 = tpu.memref_slice %arg11[%dma_start3A_89, %dma_start3A_90] : memref<10240x128xf32, #tpu.memory_space<vmem_shared>> -> memref<10240x128xf32, #tpu.memory_space<vmem_shared>>
      tpu.enqueue_indirect_dma source(%dma_start3A_85 : memref<80x128xf32, #tpu.memory_space<vmem>>) target(%dma_start3A_91 : memref<10240x128xf32, #tpu.memory_space<vmem_shared>>) offsets(%dma_start3A_88 : memref<80xi32, #tpu.memory_space<vmem>>) semaphore(%arg10 : memref<!tpu.dma_semaphore, #tpu.memory_space<semaphore_mem>>) {add = true}
      %dma_wait3A_92 = arith.constant 0 : i32
      %dma_wait3A_93 = arith.constant 0 : i32
      %dma_wait3A_94 = tpu.memref_slice %arg8[%dma_wait3A_92, %dma_wait3A_93] : memref<160x128xf32, #tpu.memory_space<vmem>> -> memref<80x128xf32, #tpu.memory_space<vmem>>
      %dma_wait3A_95 = arith.constant 0 : i32
      %dma_wait3A_96 = tpu.memref_slice %arg7[%scan3A_67, %dma_wait3A_95] : memref<125x80xi32, #tpu.memory_space<vmem>> -> memref<1x80xi32, #tpu.memory_space<vmem>>
      %dma_wait3A_97 = tpu.memref_squeeze %dma_wait3A_96 : memref<1x80xi32, #tpu.memory_space<vmem>> -> memref<80xi32, #tpu.memory_space<vmem>>
      %dma_wait3A_98 = arith.constant 0 : i32
      %dma_wait3A_99 = arith.constant 0 : i32
      %dma_wait3A_100 = tpu.memref_slice %arg11[%dma_wait3A_98, %dma_wait3A_99] : memref<10240x128xf32, #tpu.memory_space<vmem_shared>> -> memref<10240x128xf32, #tpu.memory_space<vmem_shared>>
      tpu.wait_indirect_dma semaphore(%arg10 : memref<!tpu.dma_semaphore, #tpu.memory_space<semaphore_mem>>) src(%dma_wait3A_94 : memref<80x128xf32, #tpu.memory_space<vmem>>) dst(%dma_wait3A_100 : memref<10240x128xf32, #tpu.memory_space<vmem_shared>>)
    }
    %scan3A_58 = arith.constant 125 : i32
    %barrier3A_59 = arith.constant 0 : index
    tpu.barrier barrier_id(%barrier3A_59)
    %mul3A_60 = arith.constant 640 : i32
    %mul3A_61 = arith.muli %arg1, %mul3A_60 : i32
    %mul3A_62 = arith.constant 10240 : i32
    %mul3A_63 = arith.muli %arg0, %mul3A_62 : i32
    %mul3A_64 = arith.constant 640 : i32
    %mul3A_65 = arith.muli %arg1, %mul3A_64 : i32
    %add3A_66 = arith.addi %mul3A_63, %mul3A_65 : i32
    "tpu.region"() ({
      %run_scoped3A = tpu.sem_alloc : memref<!tpu.dma_semaphore, #tpu.memory_space<semaphore_mem>>
      %dma_start3A_67 = arith.constant 0 : i32
      %dma_start3A_68 = tpu.memref_slice %arg5[%add3A_66, %dma_start3A_67] : memref<20480x128xf32, #tpu.memory_space<hbm>> -> memref<640x128xf32, #tpu.memory_space<hbm>>
      %dma_start3A_69 = arith.constant 0 : i32
      %dma_start3A_70 = tpu.memref_slice %arg11[%mul3A_61, %dma_start3A_69] : memref<10240x128xf32, #tpu.memory_space<vmem_shared>> -> memref<640x128xf32, #tpu.memory_space<vmem_shared>>
      tpu.enqueue_dma source(%dma_start3A_70 : memref<640x128xf32, #tpu.memory_space<vmem_shared>>) target(%dma_start3A_68 : memref<640x128xf32, #tpu.memory_space<hbm>>) target_semaphore(%run_scoped3A : memref<!tpu.dma_semaphore, #tpu.memory_space<semaphore_mem>>)
      %dma_wait3A = arith.constant 0 : i32
      %dma_wait3A_71 = tpu.memref_slice %arg5[%add3A_66, %dma_wait3A] : memref<20480x128xf32, #tpu.memory_space<hbm>> -> memref<640x128xf32, #tpu.memory_space<hbm>>
      %dma_wait3A_72 = arith.constant 0 : i32
      %dma_wait3A_73 = tpu.memref_slice %arg11[%mul3A_61, %dma_wait3A_72] : memref<10240x128xf32, #tpu.memory_space<vmem_shared>> -> memref<640x128xf32, #tpu.memory_space<vmem_shared>>
      tpu.wait_dma2 semaphore(%run_scoped3A : memref<!tpu.dma_semaphore, #tpu.memory_space<semaphore_mem>>) src(%dma_wait3A_73 : memref<640x128xf32, #tpu.memory_space<vmem_shared>>) dst(%dma_wait3A_71 : memref<640x128xf32, #tpu.memory_space<hbm>>)
      tpu.yield
    }) : () -> ()
    return
  }
}

module attributes {stable_mosaic.version = 14 : i64} {
  func.func @_lin3_body(%arg0: i32, %arg1: memref<2000x128xf32, #tpu.memory_space<vmem>>, %arg2: memref<2000x128xf32, #tpu.memory_space<vmem>>, %arg3: memref<128x128xf32, #tpu.memory_space<vmem>>, %arg4: memref<1x128xf32, #tpu.memory_space<vmem>>, %arg5: memref<128x128xf32, #tpu.memory_space<vmem>>, %arg6: memref<1x128xf32, #tpu.memory_space<vmem>>, %arg7: memref<128x128xf32, #tpu.memory_space<vmem>>, %arg8: memref<1x128xf32, #tpu.memory_space<vmem>>, %arg9: memref<2000x128xf32, #tpu.memory_space<vmem>>, %arg10: memref<2000x128xf32, #tpu.memory_space<vmem>>, %arg11: memref<2000x128xf32, #tpu.memory_space<vmem>>) attributes {dimension_semantics = [#tpu.dimension_semantics<arbitrary>], iteration_bounds = array<i64: 5>, scalar_prefetch = 0 : i64, scratch_operands = 0 : i64, tpu.core_type = #tpu.core_type<tc>, window_params = [{transform_indices = @transform_0, window_bounds = array<i64: 2000, 128>}, {transform_indices = @transform_1, window_bounds = array<i64: 2000, 128>}, {pipeline_mode = #tpu.pipeline_mode<synchronous>, transform_indices = @transform_2, window_bounds = array<i64: 128, 128>}, {pipeline_mode = #tpu.pipeline_mode<synchronous>, transform_indices = @transform_3, window_bounds = array<i64: 1, 128>}, {pipeline_mode = #tpu.pipeline_mode<synchronous>, transform_indices = @transform_4, window_bounds = array<i64: 128, 128>}, {pipeline_mode = #tpu.pipeline_mode<synchronous>, transform_indices = @transform_5, window_bounds = array<i64: 1, 128>}, {pipeline_mode = #tpu.pipeline_mode<synchronous>, transform_indices = @transform_6, window_bounds = array<i64: 128, 128>}, {pipeline_mode = #tpu.pipeline_mode<synchronous>, transform_indices = @transform_7, window_bounds = array<i64: 1, 128>}, {transform_indices = @transform_8, window_bounds = array<i64: 2000, 128>}, {transform_indices = @transform_9, window_bounds = array<i64: 2000, 128>}, {transform_indices = @transform_10, window_bounds = array<i64: 2000, 128>}]} {
    %get3A = arith.constant 0 : index
    %get3A_0 = arith.constant 0 : index
    %get3A_1 = vector.load %arg1[%get3A, %get3A_0] : memref<2000x128xf32, #tpu.memory_space<vmem>>, vector<2000x128xf32>
    %get3A_2 = arith.constant 0 : index
    %get3A_3 = arith.constant 0 : index
    %get3A_4 = vector.load %arg2[%get3A_2, %get3A_3] : memref<2000x128xf32, #tpu.memory_space<vmem>>, vector<2000x128xf32>
    %get3A_5 = arith.constant 0 : index
    %get3A_6 = arith.constant 0 : index
    %get3A_7 = vector.load %arg3[%get3A_5, %get3A_6] : memref<128x128xf32, #tpu.memory_space<vmem>>, vector<128x128xf32>
    %dot_general3A = arith.constant dense<0.000000e+00> : vector<2000x128xf32>
    %dot_general3A_8 = tpu.matmul %get3A_1, %get3A_7, %dot_general3A {dimension_numbers = #tpu.dot_dimension_numbers<[1], [0], [0], [1], [0, 0, 1, 1], [], []>, transpose_lhs_hint = false} : vector<2000x128xf32>, vector<128x128xf32>, vector<2000x128xf32> -> vector<2000x128xf32>
    %get3A_9 = arith.constant 0 : index
    %get3A_10 = arith.constant 0 : index
    %get3A_11 = vector.load %arg4[%get3A_9, %get3A_10] : memref<1x128xf32, #tpu.memory_space<vmem>>, vector<1x128xf32>
    %add3A = vector.broadcast %get3A_11 : vector<1x128xf32> to vector<2000x128xf32>
    %add3A_12 = arith.addf %dot_general3A_8, %add3A : vector<2000x128xf32>
    %swap3A = arith.constant 0 : index
    %swap3A_13 = arith.constant 0 : index
    %swap3A_14 = vector.load %arg9[%swap3A, %swap3A_13] : memref<2000x128xf32, #tpu.memory_space<vmem>>, vector<2000x128xf32>
    tpu.vector_store %arg9[%swap3A, %swap3A_13], %add3A_12 {strides = array<i32>} : memref<2000x128xf32, #tpu.memory_space<vmem>>, vector<2000x128xf32>,
    %get3A_15 = arith.constant 0 : index
    %get3A_16 = arith.constant 0 : index
    %get3A_17 = vector.load %arg5[%get3A_15, %get3A_16] : memref<128x128xf32, #tpu.memory_space<vmem>>, vector<128x128xf32>
    %dot_general3A_18 = arith.constant dense<0.000000e+00> : vector<2000x128xf32>
    %dot_general3A_19 = tpu.matmul %get3A_4, %get3A_17, %dot_general3A_18 {dimension_numbers = #tpu.dot_dimension_numbers<[1], [0], [0], [1], [0, 0, 1, 1], [], []>, transpose_lhs_hint = false} : vector<2000x128xf32>, vector<128x128xf32>, vector<2000x128xf32> -> vector<2000x128xf32>
    %get3A_20 = arith.constant 0 : index
    %get3A_21 = arith.constant 0 : index
    %get3A_22 = vector.load %arg6[%get3A_20, %get3A_21] : memref<1x128xf32, #tpu.memory_space<vmem>>, vector<1x128xf32>
    %add3A_23 = vector.broadcast %get3A_22 : vector<1x128xf32> to vector<2000x128xf32>
    %add3A_24 = arith.addf %dot_general3A_19, %add3A_23 : vector<2000x128xf32>
    %swap3A_25 = arith.constant 0 : index
    %swap3A_26 = arith.constant 0 : index
    %swap3A_27 = vector.load %arg10[%swap3A_25, %swap3A_26] : memref<2000x128xf32, #tpu.memory_space<vmem>>, vector<2000x128xf32>
    tpu.vector_store %arg10[%swap3A_25, %swap3A_26], %add3A_24 {strides = array<i32>} : memref<2000x128xf32, #tpu.memory_space<vmem>>, vector<2000x128xf32>,
    %get3A_28 = arith.constant 0 : index
    %get3A_29 = arith.constant 0 : index
    %get3A_30 = vector.load %arg7[%get3A_28, %get3A_29] : memref<128x128xf32, #tpu.memory_space<vmem>>, vector<128x128xf32>
    %dot_general3A_31 = arith.constant dense<0.000000e+00> : vector<2000x128xf32>
    %dot_general3A_32 = tpu.matmul %get3A_4, %get3A_30, %dot_general3A_31 {dimension_numbers = #tpu.dot_dimension_numbers<[1], [0], [0], [1], [0, 0, 1, 1], [], []>, transpose_lhs_hint = false} : vector<2000x128xf32>, vector<128x128xf32>, vector<2000x128xf32> -> vector<2000x128xf32>
    %get3A_33 = arith.constant 0 : index
    %get3A_34 = arith.constant 0 : index
    %get3A_35 = vector.load %arg8[%get3A_33, %get3A_34] : memref<1x128xf32, #tpu.memory_space<vmem>>, vector<1x128xf32>
    %add3A_36 = vector.broadcast %get3A_35 : vector<1x128xf32> to vector<2000x128xf32>
    %add3A_37 = arith.addf %dot_general3A_32, %add3A_36 : vector<2000x128xf32>
    %swap3A_38 = arith.constant 0 : index
    %swap3A_39 = arith.constant 0 : index
    %swap3A_40 = vector.load %arg11[%swap3A_38, %swap3A_39] : memref<2000x128xf32, #tpu.memory_space<vmem>>, vector<2000x128xf32>
    tpu.vector_store %arg11[%swap3A_38, %swap3A_39], %add3A_37 {strides = array<i32>} : memref<2000x128xf32, #tpu.memory_space<vmem>>, vector<2000x128xf32>,
    return
  }
  func.func @transform_0(%arg0: i32) -> (i32, i32) {
    %c0_i32 = arith.constant 0 : i32
    %c0_i32_0 = arith.constant 0 : i32
    return %arg0, %c0_i32 : i32, i32
  }
  func.func @transform_1(%arg0: i32) -> (i32, i32) {
    %c0_i32 = arith.constant 0 : i32
    %c0_i32_0 = arith.constant 0 : i32
    return %arg0, %c0_i32 : i32, i32
  }
  func.func @transform_2(%arg0: i32) -> (i32, i32) {
    %c0_i32 = arith.constant 0 : i32
    %c0_i32_0 = arith.constant 0 : i32
    %c0_i32_1 = arith.constant 0 : i32
    return %c0_i32, %c0_i32_0 : i32, i32
  }
  func.func @transform_3(%arg0: i32) -> (i32, i32) {
    %c0_i32 = arith.constant 0 : i32
    %c0_i32_0 = arith.constant 0 : i32
    %c0_i32_1 = arith.constant 0 : i32
    return %c0_i32, %c0_i32_0 : i32, i32
  }
  func.func @transform_4(%arg0: i32) -> (i32, i32) {
    %c0_i32 = arith.constant 0 : i32
    %c0_i32_0 = arith.constant 0 : i32
    %c0_i32_1 = arith.constant 0 : i32
    return %c0_i32, %c0_i32_0 : i32, i32
  }
  func.func @transform_5(%arg0: i32) -> (i32, i32) {
    %c0_i32 = arith.constant 0 : i32
    %c0_i32_0 = arith.constant 0 : i32
    %c0_i32_1 = arith.constant 0 : i32
    return %c0_i32, %c0_i32_0 : i32, i32
  }
  func.func @transform_6(%arg0: i32) -> (i32, i32) {
    %c0_i32 = arith.constant 0 : i32
    %c0_i32_0 = arith.constant 0 : i32
    %c0_i32_1 = arith.constant 0 : i32
    return %c0_i32, %c0_i32_0 : i32, i32
  }
  func.func @transform_7(%arg0: i32) -> (i32, i32) {
    %c0_i32 = arith.constant 0 : i32
    %c0_i32_0 = arith.constant 0 : i32
    %c0_i32_1 = arith.constant 0 : i32
    return %c0_i32, %c0_i32_0 : i32, i32
  }
  func.func @transform_8(%arg0: i32) -> (i32, i32) {
    %c0_i32 = arith.constant 0 : i32
    %c0_i32_0 = arith.constant 0 : i32
    return %arg0, %c0_i32 : i32, i32
  }
  func.func @transform_9(%arg0: i32) -> (i32, i32) {
    %c0_i32 = arith.constant 0 : i32
    %c0_i32_0 = arith.constant 0 : i32
    return %arg0, %c0_i32 : i32, i32
  }
  func.func @transform_10(%arg0: i32) -> (i32, i32) {
    %c0_i32 = arith.constant 0 : i32
    %c0_i32_0 = arith.constant 0 : i32
    return %arg0, %c0_i32 : i32, i32
  }
}

module attributes {stable_mosaic.version = 14 : i64} {
  func.func @_update_lin_body(%arg0: i32, %arg1: memref<2000x128xf32, #tpu.memory_space<vmem>>, %arg2: memref<2000x128xf32, #tpu.memory_space<vmem>>, %arg3: memref<2000x128xf32, #tpu.memory_space<vmem>>, %arg4: memref<128x128xf32, #tpu.memory_space<vmem>>, %arg5: memref<1x128xf32, #tpu.memory_space<vmem>>, %arg6: memref<2000x128xf32, #tpu.memory_space<vmem>>, %arg7: memref<2000x128xf32, #tpu.memory_space<vmem>>) attributes {dimension_semantics = [#tpu.dimension_semantics<arbitrary>], iteration_bounds = array<i64: 5>, scalar_prefetch = 0 : i64, scratch_operands = 0 : i64, tpu.core_type = #tpu.core_type<tc>, window_params = [{transform_indices = @transform_0, window_bounds = array<i64: 2000, 128>}, {transform_indices = @transform_1, window_bounds = array<i64: 2000, 128>}, {transform_indices = @transform_2, window_bounds = array<i64: 2000, 128>}, {pipeline_mode = #tpu.pipeline_mode<synchronous>, transform_indices = @transform_3, window_bounds = array<i64: 128, 128>}, {pipeline_mode = #tpu.pipeline_mode<synchronous>, transform_indices = @transform_4, window_bounds = array<i64: 1, 128>}, {transform_indices = @transform_5, window_bounds = array<i64: 2000, 128>}, {transform_indices = @transform_6, window_bounds = array<i64: 2000, 128>}]} {
    %get3A = arith.constant 0 : index
    %get3A_0 = arith.constant 0 : index
    %get3A_1 = vector.load %arg1[%get3A, %get3A_0] : memref<2000x128xf32, #tpu.memory_space<vmem>>, vector<2000x128xf32>
    %get3A_2 = arith.constant 0 : index
    %get3A_3 = arith.constant 0 : index
    %get3A_4 = vector.load %arg2[%get3A_2, %get3A_3] : memref<2000x128xf32, #tpu.memory_space<vmem>>, vector<2000x128xf32>
    %get3A_5 = arith.constant 0 : index
    %get3A_6 = arith.constant 0 : index
    %get3A_7 = vector.load %arg3[%get3A_5, %get3A_6] : memref<2000x128xf32, #tpu.memory_space<vmem>>, vector<2000x128xf32>
    %add3A = arith.addf %get3A_4, %get3A_7 : vector<2000x128xf32>
    %mul3A = arith.mulf %add3A, %get3A_1 : vector<2000x128xf32>
    %add3A_8 = arith.addf %get3A_1, %mul3A : vector<2000x128xf32>
    %swap3A = arith.constant 0 : index
    %swap3A_9 = arith.constant 0 : index
    %swap3A_10 = vector.load %arg6[%swap3A, %swap3A_9] : memref<2000x128xf32, #tpu.memory_space<vmem>>, vector<2000x128xf32>
    tpu.vector_store %arg6[%swap3A, %swap3A_9], %add3A_8 {strides = array<i32>} : memref<2000x128xf32, #tpu.memory_space<vmem>>, vector<2000x128xf32>,
    %get3A_11 = arith.constant 0 : index
    %get3A_12 = arith.constant 0 : index
    %get3A_13 = vector.load %arg4[%get3A_11, %get3A_12] : memref<128x128xf32, #tpu.memory_space<vmem>>, vector<128x128xf32>
    %dot_general3A = arith.constant dense<0.000000e+00> : vector<2000x128xf32>
    %dot_general3A_14 = tpu.matmul %add3A_8, %get3A_13, %dot_general3A {dimension_numbers = #tpu.dot_dimension_numbers<[1], [0], [0], [1], [0, 0, 1, 1], [], []>, transpose_lhs_hint = false} : vector<2000x128xf32>, vector<128x128xf32>, vector<2000x128xf32> -> vector<2000x128xf32>
    %get3A_15 = arith.constant 0 : index
    %get3A_16 = arith.constant 0 : index
    %get3A_17 = vector.load %arg5[%get3A_15, %get3A_16] : memref<1x128xf32, #tpu.memory_space<vmem>>, vector<1x128xf32>
    %add3A_18 = vector.broadcast %get3A_17 : vector<1x128xf32> to vector<2000x128xf32>
    %add3A_19 = arith.addf %dot_general3A_14, %add3A_18 : vector<2000x128xf32>
    %swap3A_20 = arith.constant 0 : index
    %swap3A_21 = arith.constant 0 : index
    %swap3A_22 = vector.load %arg7[%swap3A_20, %swap3A_21] : memref<2000x128xf32, #tpu.memory_space<vmem>>, vector<2000x128xf32>
    tpu.vector_store %arg7[%swap3A_20, %swap3A_21], %add3A_19 {strides = array<i32>} : memref<2000x128xf32, #tpu.memory_space<vmem>>, vector<2000x128xf32>,
    return
  }
  func.func @transform_0(%arg0: i32) -> (i32, i32) {
    %c0_i32 = arith.constant 0 : i32
    %c0_i32_0 = arith.constant 0 : i32
    return %arg0, %c0_i32 : i32, i32
  }
  func.func @transform_1(%arg0: i32) -> (i32, i32) {
    %c0_i32 = arith.constant 0 : i32
    %c0_i32_0 = arith.constant 0 : i32
    return %arg0, %c0_i32 : i32, i32
  }
  func.func @transform_2(%arg0: i32) -> (i32, i32) {
    %c0_i32 = arith.constant 0 : i32
    %c0_i32_0 = arith.constant 0 : i32
    return %arg0, %c0_i32 : i32, i32
  }
  func.func @transform_3(%arg0: i32) -> (i32, i32) {
    %c0_i32 = arith.constant 0 : i32
    %c0_i32_0 = arith.constant 0 : i32
    %c0_i32_1 = arith.constant 0 : i32
    return %c0_i32, %c0_i32_0 : i32, i32
  }
  func.func @transform_4(%arg0: i32) -> (i32, i32) {
    %c0_i32 = arith.constant 0 : i32
    %c0_i32_0 = arith.constant 0 : i32
    %c0_i32_1 = arith.constant 0 : i32
    return %c0_i32, %c0_i32_0 : i32, i32
  }
  func.func @transform_5(%arg0: i32) -> (i32, i32) {
    %c0_i32 = arith.constant 0 : i32
    %c0_i32_0 = arith.constant 0 : i32
    return %arg0, %c0_i32 : i32, i32
  }
  func.func @transform_6(%arg0: i32) -> (i32, i32) {
    %c0_i32 = arith.constant 0 : i32
    %c0_i32_0 = arith.constant 0 : i32
    return %arg0, %c0_i32 : i32, i32
  }
}

module attributes {stable_mosaic.version = 14 : i64} {
  func.func @_update_body(%arg0: i32, %arg1: memref<2000x128xf32, #tpu.memory_space<vmem>>, %arg2: memref<2000x128xf32, #tpu.memory_space<vmem>>, %arg3: memref<2000x128xf32, #tpu.memory_space<vmem>>, %arg4: memref<2000x128xf32, #tpu.memory_space<vmem>>) attributes {dimension_semantics = [#tpu.dimension_semantics<arbitrary>], iteration_bounds = array<i64: 5>, scalar_prefetch = 0 : i64, scratch_operands = 0 : i64, tpu.core_type = #tpu.core_type<tc>, window_params = [{transform_indices = @transform_0, window_bounds = array<i64: 2000, 128>}, {transform_indices = @transform_1, window_bounds = array<i64: 2000, 128>}, {transform_indices = @transform_2, window_bounds = array<i64: 2000, 128>}, {transform_indices = @transform_3, window_bounds = array<i64: 2000, 128>}]} {
    %get3A = arith.constant 0 : index
    %get3A_0 = arith.constant 0 : index
    %get3A_1 = vector.load %arg1[%get3A, %get3A_0] : memref<2000x128xf32, #tpu.memory_space<vmem>>, vector<2000x128xf32>
    %get3A_2 = arith.constant 0 : index
    %get3A_3 = arith.constant 0 : index
    %get3A_4 = vector.load %arg2[%get3A_2, %get3A_3] : memref<2000x128xf32, #tpu.memory_space<vmem>>, vector<2000x128xf32>
    %get3A_5 = arith.constant 0 : index
    %get3A_6 = arith.constant 0 : index
    %get3A_7 = vector.load %arg3[%get3A_5, %get3A_6] : memref<2000x128xf32, #tpu.memory_space<vmem>>, vector<2000x128xf32>
    %add3A = arith.addf %get3A_4, %get3A_7 : vector<2000x128xf32>
    %mul3A = arith.mulf %add3A, %get3A_1 : vector<2000x128xf32>
    %add3A_8 = arith.addf %get3A_1, %mul3A : vector<2000x128xf32>
    %swap3A = arith.constant 0 : index
    %swap3A_9 = arith.constant 0 : index
    %swap3A_10 = vector.load %arg4[%swap3A, %swap3A_9] : memref<2000x128xf32, #tpu.memory_space<vmem>>, vector<2000x128xf32>
    tpu.vector_store %arg4[%swap3A, %swap3A_9], %add3A_8 {strides = array<i32>} : memref<2000x128xf32, #tpu.memory_space<vmem>>, vector<2000x128xf32>,
    return
  }
  func.func @transform_0(%arg0: i32) -> (i32, i32) {
    %c0_i32 = arith.constant 0 : i32
    %c0_i32_0 = arith.constant 0 : i32
    return %arg0, %c0_i32 : i32, i32
  }
  func.func @transform_1(%arg0: i32) -> (i32, i32) {
    %c0_i32 = arith.constant 0 : i32
    %c0_i32_0 = arith.constant 0 : i32
    return %arg0, %c0_i32 : i32, i32
  }
  func.func @transform_2(%arg0: i32) -> (i32, i32) {
    %c0_i32 = arith.constant 0 : i32
    %c0_i32_0 = arith.constant 0 : i32
    return %arg0, %c0_i32 : i32, i32
  }
  func.func @transform_3(%arg0: i32) -> (i32, i32) {
    %c0_i32 = arith.constant 0 : i32
    %c0_i32_0 = arith.constant 0 : i32
    return %arg0, %c0_i32 : i32, i32
  }
}

</mosaic_0001>

<sc_bundles>
// kernel: kernel.10.cloned.1.call-start
scs
__scs_entry_jumppad:
0x0: {  	(pc) =	sbr.rel $0x88, $3  }
0x1: {  	(tag) =	ssettag $0x0;
	lr =	simm.s32 $0x1  }
0x2: {  	[smem:$0x3F96] =	sst lr;
	_ =	strace $0xD0000000  }
0x3: {  	_ = 	snop  }
0x4: {  	_ = 	snop  }
0x5: {  	_ = 	snop  }
0x6: {  	_ = 	snop  }
0x7: {  	_ = 	snop  }
__scs_overlays_trampoline_lowered:
0x8: {  	[smem:$0x3FA5] =	sst s0  }
0x9: {  	[smem:$0x3FA6] =	sst s1  }
0xa: {  	[smem:$0x3FA7] =	sst s2  }
0xb: {  	[smem:$0x3FA8] =	sst s3  }
0xc: {  	[smem:$0x3FA9] =	sst s4  }
0xd: {  	[smem:$0x3FAA] =	sst s5  }
0xe: {  	[smem:$0x3FAB] =	sst s6  }
0xf: {  	[smem:$0x3FAC] =	sst s7  }
0x10: {  	[smem:$0x3FAD] =	sst s8  }
0x11: {  	[smem:$0x3FAE] =	sst s9;
	s0 =	simm.s32 @!p0 $0x0  }
0x12: {  	s1 =	sld [smem:$0x3F94];
	s0 =	simm.s32 @p0 $0x1  }
0x13: {  	[smem:$0x3FAF] =	sst s0;
	s0 =	simm.s32 @!p1 $0x0  }
0x14: {  	s2 =	sld [smem:$0x3F93];
	s0 =	simm.s32 @p1 $0x1  }
0x15: {  	[smem:$0x3FB0] =	sst s0;
	s0 =	simm.s32 @!p2 $0x0  }
0x16: {  	s3 =	sld [smem:$0x3FDB];
	s0 =	simm.s32 @p2 $0x1  }
0x17: {  	s4 =	simm.s32 $0x1BF5;
	[smem:$0x3FB2] =	sst s0  }
0x18: {  	s0 =	sld [smem:$0x3F95];
	_ =	swait.ge [sflag:s4], $0x0  }
0x19: {  	s7 =	sld [smem:$0x3F96]  }
0x1a: {  	s8 =	sadd.s32 $0xFFFFE003, lr  }
0x1b: {  	s9 =	sadd.s32 $0xFFFFFEF7, lr;
	s5 =	simm.s32 $0xFFFFFFFF;
	p2 =	slt.u32 s8, $0xFFFFF086  }
0x1c: {  	p1 =	slt.u32 s9, $0xF7A;
	s5 =	simm.s32 @!p2 $0x0  }
0x1d: {  	s5 =	simm.s32 @p1 $0x1;
	p0 =	seq.s32 s7, s2  }
0x1e: {  	s7 =	smul.u32 @!p0 $0xF7A, s2;
	p2 =	seq.s32 @!p0 s5, $0x0  }
0x1f: {  	s9 =	smul.u32 $0xF7A, s1;
	s8 =	simm.s32 @!p0 $0x1BF5;
	p2 =	por !p2, p0  }
0x20: {  	[sflag:s8] =	ssyncset.s32 @!p0 $0xFFFFF086;
	s6 =	sadd.s32 @!p0 s3, s7;
	s7 =	simm.s32 @!p0 $0x108  }
0x21: {  	s3 =	sadd.s32 s3, s9;
	s6 =	sadd.s32 @!p0 $0x88, s6;
	s7 =	simm.s32 @p2 $0x1082  }
0x22: {  	[simem:s7], [sflag:s8] =	dma.local @!p0 [hbm:s6], $0xF7A  }
0x23: {  	s9 =	sor.u32 $0xD0000000, s2;
	s6 =	simm.s32 $0x108;
	_ =	swait.ge @!p0 [sflag:s8], $0x0  }
0x24: {  	s3 =	sadd.s32 $0x88, s3;
	s6 =	simm.s32 @!p1 $0x1082;
	[sflag:s4] =	ssyncset.s32 $0xFFFFF086  }
0x25: {  	[simem:s6], [sflag:s4] =	dma.local [hbm:s3], $0xF7A  }
0x26: {  	[smem:$0x3F96] =	sst s1;
	(tag) =	ssettag s2;
	_ =	strace s9  }
0x27: {  	s1 =	sld [smem:$0x3FA6]  }
0x28: {  	s2 =	sld [smem:$0x3FA7]  }
0x29: {  	s4 =	sld [smem:$0x3FA9]  }
0x2a: {  	p0 =	seq.s32 s5, $0x0;
	s5 =	sld [smem:$0x3FAA]  }
0x2b: {  	s6 =	sld [smem:$0x3FAB]  }
0x2c: {  	s7 =	sld [smem:$0x3FAC]  }
0x2d: {  	s3 =	simm.s32 $0x108;
	s8 =	sld [smem:$0x3FAD]  }
0x2e: {  	s3 =	simm.s32 @!p0 $0x1082;
	s9 =	sld [smem:$0x3FAE]  }
0x2f: {  	lr =	sadd.s32 s0, s3;
	s0 =	sld [smem:$0x3FA5]  }
0x30: {  	s3 =	sld [smem:$0x3FA8]  }
0x31: {  	[smem:$0x3FB1] =	sst s10  }
0x32: {  	s10 =	sld [smem:$0x3FAF];
	_ =	sdelay $0x3  }
0x33: {  	p0 =	seq.s32 s10, $0x1;
	s10 =	sld [smem:$0x3FB1];
	_ =	sdelay $0x3  }
0x34: {  	[smem:$0x3FB1] =	sst s10  }
0x35: {  	s10 =	sld [smem:$0x3FB0];
	_ =	sdelay $0x3  }
0x36: {  	p1 =	seq.s32 s10, $0x1;
	s10 =	sld [smem:$0x3FB1];
	_ =	sdelay $0x3  }
0x37: {  	[smem:$0x3FB1] =	sst s10  }
0x38: {  	s10 =	sld [smem:$0x3FB2]  }
0x39: {  	_ = 	snop;
	(pc) =	sbr.ind lr, $3  }
0x3a: {  	_ = 	snop  }
0x3b: {  	_ = 	snop  }
0x3c: {  	p2 =	seq.s32 s10, $0x1;
	s10 =	sld [smem:$0x3FB1]  }
0x3d: {  	_ =	shalt  }
0x3e: {  	_ =	shalt  }
0x3f: {  	_ =	shalt  }
0x40: {  	_ =	shalt  }
0x41: {  	_ =	shalt  }
0x42: {  	_ =	shalt  }
0x43: {  	_ =	shalt  }
0x44: {  	_ =	shalt  }
0x45: {  	_ =	shalt  }
0x46: {  	_ =	shalt  }
0x47: {  	_ =	shalt  }
0x48: {  	_ =	shalt  }
0x49: {  	_ =	shalt  }
0x4a: {  	_ =	shalt  }
0x4b: {  	_ =	shalt  }
0x4c: {  	_ =	shalt  }
0x4d: {  	_ =	shalt  }
0x4e: {  	_ =	shalt  }
0x4f: {  	_ =	shalt  }
0x50: {  	_ =	shalt  }
0x51: {  	_ =	shalt  }
0x52: {  	_ =	shalt  }
0x53: {  	_ =	shalt  }
0x54: {  	_ =	shalt  }
0x55: {  	_ =	shalt  }
0x56: {  	_ =	shalt  }
0x57: {  	_ =	shalt  }
0x58: {  	_ =	shalt  }
0x59: {  	_ =	shalt  }
0x5a: {  	_ =	shalt  }
0x5b: {  	_ =	shalt  }
0x5c: {  	_ =	shalt  }
0x5d: {  	_ =	shalt  }
0x5e: {  	_ =	shalt  }
0x5f: {  	_ =	shalt  }
0x60: {  	_ =	shalt  }
0x61: {  	_ =	shalt  }
0x62: {  	_ =	shalt  }
0x63: {  	_ =	shalt  }
0x64: {  	_ =	shalt  }
0x65: {  	_ =	shalt  }
0x66: {  	_ =	shalt  }
0x67: {  	_ =	shalt  }
0x68: {  	_ =	shalt  }
0x69: {  	_ =	shalt  }
0x6a: {  	_ =	shalt  }
0x6b: {  	_ =	shalt  }
0x6c: {  	_ =	shalt  }
0x6d: {  	_ =	shalt  }
0x6e: {  	_ =	shalt  }
0x6f: {  	_ =	shalt  }
0x70: {  	_ =	shalt  }
0x71: {  	_ =	shalt  }
0x72: {  	_ =	shalt  }
0x73: {  	_ =	shalt  }
0x74: {  	_ =	shalt  }
0x75: {  	_ =	shalt  }
0x76: {  	_ =	shalt  }
0x77: {  	_ =	shalt  }
0x78: {  	_ =	shalt  }
0x79: {  	_ =	shalt  }
0x7a: {  	_ =	shalt  }
0x7b: {  	_ =	shalt  }
0x7c: {  	_ =	shalt  }
0x7d: {  	_ =	shalt  }
0x7e: {  	_ =	shalt  }
0x7f: {  	_ =	shalt  }
0x80: {  	_ =	shalt  }
0x81: {  	_ =	shalt  }
0x82: {  	_ =	shalt  }
0x83: {  	_ =	shalt  }
0x84: {  	_ =	shalt  }
0x85: {  	_ =	shalt  }
0x86: {  	_ =	shalt  }
0x87: {  	_ =	shalt  }
.Lfunc_end0:
.L_simem_size_0:
called_computation.1_lowered:
.L_overlay_start_0:
0x88: {  	s2 =	sld [smem:$0x3FD9]  }
0x89: {  	s3 =	sld [smem:$0x3FFE];
	_ =	sdelay $0x1  }
0x8a: {  	s1 =	srdreg.scid  }
0x8b: {  	s0 =	sand.u32 $0x1, s1  }
0x8c: {  	s14 =	sshll.u32 s0, $0xA;
	s2 =	sadd.s32 s3, s2  }
0x8d: {  	s2 =	sadd.s32 s2, s14  }
0x8e: {  	[smem:$0x3FBD] =	sst s2  }
0x8f: {  	_ = 	snop  }
0x90: {  	s2 =	sld [smem:$0x3FD0];
	_ =	sdelay $0x2  }
0x91: {  	s15 =	simm.s32 $0xA;
	s4 =	simm.s32 $0x10  }
0x92: {  	[smem:s4], [sflag:s15] =	dma.local [hbm:s2], $0x1  }
0x93: {  	_ =	swait.eq [sflag:s15], $0x1  }
0x94: {  	[sflag:s15] =	ssyncset.done $0x0  }
0x95: {  	[sflag:s15] =	ssyncadd.s32 $0xFFFFFFFF  }
0x96: {  	s16 =	sld [smem:$0x10];
	(tm) =	ssettm $0x1  }
0x97: {  	s17 =	sld [smem:$0x3FFB];
	_ =	sdelay $0x3  }
0x98: {  	_ =	strace s17  }
0x99: {  	s3 =	sld [smem:$0x3FFC];
	_ =	sdelay $0x3  }
0x9a: {  	_ =	strace s3  }
0x9b: {  	s3 =	sld [smem:$0x3FFD];
	_ =	sdelay $0x3  }
0x9c: {  	_ =	strace s3  }
0x9d: {  	_ =	strace $0x8FFFFFFF  }
0x9e: {  	s18 =	sld [smem:$0x3FDB];
	_ =	sdelay $0x1  }
0x9f: {  	s19 =	simm.s32 $_scs_section_size  }
0xa0: {  	s5 =	simm.s32 $_size__tile_overlayer_lowered;
	s6 =	simm.s32 $_tile_overlayer_lowered  }
0xa1: {  	s22 =	simm.s32 $0x1BFF;
	s21 =	sshll.u32 s6, $0x1;
	s3 =	sadd.s32 s19, s18  }
0xa2: {  	s7 =	simm.s32 $0x0;
	s20 =	sshll.u32 s5, $0x1;
	s5 =	sadd.s32 s21, s3  }
0xa3: {  	[timem:s7], [sflag:s22] =	dma.local [hbm:s5], s20  }
0xa4: {  	_ =	swait.ge [sflag:s22], s20  }
0xa5: {  	s4 =	ssub.s32 $0x0, s20;
	[sflag:s22] =	ssyncset.done $0x0  }
0xa6: {  	[sflag:s22] =	ssyncadd.s32 s4;
	_ =	sdelay $0x1  }
0xa7: {  	s23 =	simm.s32 $0x1B8B  }
0xa8: {  	_ =	swait.ge [sflag:s23], $0x1  }
0xa9: {  	[sflag:s23] =	ssyncset.done $0x0  }
0xaa: {  	s25 =	simm.s32 $0x1B8E;
	s24 =	sld [smem:$0x3FFE];
	[sflag:s23] =	ssyncadd.s32 $0xFFFFFFFF  }
0xab: {  	s26 =	simm.s32 $execute0_lowered;
	[smem:$0x3FD2] =	sst s25  }
0xac: {  	s5 =	sshll.u32 s26, $0x1;
	_ =	strace $0x80000049;
	[dreg:$0x1] =	wrdreg $0xFFFFFFFF  }
0xad: {  	s28 =	simm.s32 $_size_execute0_lowered;
	s3 =	sadd.s32 s3, s5;
	[dreg:$0x0] =	wrdreg $0x0  }
0xae: {  	s5 =	sshll.u32 s28, $0x1;
	[dreg:$0x2] =	wrdreg s3  }
0xaf: {  	[dreg:$0x3] =	wrdreg s5  }
0xb0: {  	[dreg:$0x4] =	wrdreg $0xC0  }
0xb1: {  	_ =	task [dreg:s7], $0x5FFFF  }
0xb2: {  	[dreg:$0x1] =	wrdreg $0xFFFFFFFF  }
0xb3: {  	[dreg:$0x0] =	wrdreg $0x60  }
0xb4: {  	[dreg:$0x2] =	wrdreg s16  }
0xb5: {  	[dreg:$0x3] =	wrdreg s24  }
0xb6: {  	[dreg:$0x4] =	wrdreg $0xB7800  }
0xb7: {  	[dreg:$0x5] =	wrdreg $0x9  }
0xb8: {  	_ =	task.clear_ibuf [dreg:s7], $0x6FFFF;
	_ =	strace $0x90000049  }
0xb9: {  	s29 =	simm.s32 $0x9;
	_ =	strace $0x8000004B  }
0xba: {  	_ =	swait.ge [sflag:s29], $0x1  }
0xbb: {  	[sflag:s29] =	ssyncadd.s32 $0xFFFFFFFF  }
0xbc: {  	_ =	strace $0x9000004B  }
0xbd: {  	_ =	sfence  }
0xbe: {  	s30 =	sld [smem:$0x0];
	_ =	sdelay $0x2  }
0xbf: {  	s31 =	sshll.u32 s1, $0xD;
	s1 =	sshrl.u32 s1, $0x2  }
0xc0: {  	s3 =	sand.u32 $0x4000, s31;
	s1 =	sadd.s32 s1, s30  }
0xc1: {  	s0 =	sor.u32 s3, s0;
	s1 =	sshll.u32 s1, $0x11  }
0xc2: {  	s0 =	sor.u32 s1, s0  }
0xc3: {  	s0 =	sadd.s32 $0x8F2B, s0  }
0xc4: {  	[sflag:s0] =	ssyncadd.remote.s32 $0x1  }
0xc5: {  	_ =	sfence.sel $0xFFFF  }
0xc6: {  	[dreg:$0x0] =	wrdreg $0xFFFFFFFF;
	(pc) =	sbr.abs _section_cstart, $3  }
0xc7: {  	[dreg:$0x1] =	wrdreg $0xFFFFFFFF  }
0xc8: {  	_ =	task.clear_ibuf [dreg:s7], $0x2FFFF;
	_ =	strace $0x9FFFFFFF  }
0xc9: {  	(tm) =	ssettm $0x7FFFFFFF  }
tec
execute0_lowered:
.L_overlay_start_1:
0x0: {  	(tag) =	ssettag $0x1  }
0x1: {  	s1 =	rddreg [dreg:$0x0]  }
0x2: {  	s2 =	srdreg.scid;
	s6 =	rddreg [dreg:$0x1]  }
0x3: {  	s0 =	stileid.u32;
	s3 =	rddreg [dreg:$0x2]  }
0x4: {  	s4 =	simm.s32 $0x0;
	s17 =	simm.s32 $0x6780;
	s18 =	simm.s32 $0x3  }
0x5: {  	s19 =	simm.s32 $0x50;
	s20 =	simm.s32 $0x1;
	s21 =	simm.s32 $0x2  }
0x6: {  	s22 =	simm.s32 $0x6580;
	s23 =	simm.s32 $0x0;
	s5 =	sand.u32 $0x1, s2  }
0x7: {  	s28 =	sshll.u32 s0, $0x1;
	s2 =	rddreg [dreg:$0x3];
	s9 =	smul.u32 $0x2800, s0  }
0x8: {  	[smem:$0x7FF] =	sst s4;
	s11 =	smul.u32 $0x50000, s0;
	s7 =	sor.u32 s5, s28  }
0x9: {  	s10 =	smul.u32 $0x28000, s5;
	_ =	strace $0x8000004A;
	s5 =	ssub.s32 $0x2, s5  }
0xa: {  	s8 =	smul.u32 $0x4E2, s7;
	s7 =	sshll.u32 s7, $0xB;
	s30 =	sshrl.u32 s5, $0x1  }
0xb: {  	s31 =	sshrl.u32 s11, $0x2;
	s14 =	sadd.s32 s7, s6;
	s29 =	sadd.s32 s9, s10  }
0xc: {  	s16 =	ssub.s32 s5, s30;
	s5 =	sadd.s32 s31, s3;
	s13 =	sadd.s32 s8, s6  }
0xd: {  	s15 =	sadd.s32 s29, s6;
	s6 =	sadd.s32 $0x2800, s5;
	s7 =	sadd.s32 $0x5000, s5  }
0xe: {  	s8 =	sadd.s32 $0x7800, s5;
	s9 =	sadd.s32 $0xA000, s5;
	s10 =	sadd.s32 $0xC800, s5  }
0xf: {  	s11 =	sadd.s32 $0xF000, s5;
	s12 =	sadd.s32 $0x11800, s5;
	s14 =	sadd.s32 $0x65E00, s14  }
0x10: {  	v0 =	vimm.f32 $0.0e+00;
	s16 =	smax.u32 s16, $0x1;
	s13 =	sadd.s32 $0xC000, s13;
	s15 =	sadd.s32 $0x15E00, s15  }
.LBB2_1:
0x11: {  	s24 =	simm.s32 $0x0;
	s25 =	simm.s32 $0x200  }
.LBB2_2:
0x12: {  	p0 =	sne.s32 s25, $0x9E00;
	[tilespmem:s24+$0x67F0] =	vst v0  }
0x13: {  	[tilespmem:s24+$0x6780] =	vst v0  }
0x14: {  	[tilespmem:s24+$0x6790] =	vst v0  }
.Ltmp0:
0x15: {  	[tilespmem:s24+$0x67A0] =	vst v0;
	(pc) =	sbr.rel @p0 .LBB2_2-.Ltmp0, $4  }
0x16: {  	[tilespmem:s24+$0x67B0] =	vst v0  }
0x17: {  	[tilespmem:s24+$0x67C0] =	vst v0  }
0x18: {  	[tilespmem:s24+$0x67D0] =	vst v0  }
0x19: {  	[tilespmem:s24+$0x67E0] =	vst v0;
	s24 =	sshra.s32 s25, $0x2;
	s25 =	sadd.s32 $0x200, s25  }
0x1a: {  	[tilespmem:s24+$0x67F0] =	vst v0  }
0x1b: {  	[tilespmem:s24+$0x6780] =	vst v0  }
0x1c: {  	[tilespmem:s24+$0x6790] =	vst v0  }
0x1d: {  	[tilespmem:s24+$0x67A0] =	vst v0  }
0x1e: {  	[tilespmem:s24+$0x67B0] =	vst v0  }
0x1f: {  	[tilespmem:s24+$0x67C0] =	vst v0  }
0x20: {  	[tilespmem:s24+$0x67D0] =	vst v0  }
0x21: {  	[tilespmem:s24+$0x67E0] =	vst v0  }
0x22: {  	[spmem:s5] =	stream.linear.scatter [tilespmem:s17], [sflag:$0x3], $0x2800, $0x38;
	[tilespmem:$0x1F780] =	vst v63  }
0x23: {  	_ =	swait.ge [sflag:s18], $0x2800  }
0x24: {  	[sflag:s18] =	ssyncset.done $0x0  }
0x25: {  	[sflag:s18] =	ssyncadd.s32 $0xFFFFD800  }
0x26: {  	[spmem:s6] =	stream.linear.scatter [tilespmem:s17], [sflag:$0x3], $0x2800, $0x38;
	[tilespmem:$0x1F780] =	vst v63  }
0x27: {  	_ =	swait.ge [sflag:s18], $0x2800  }
0x28: {  	[sflag:s18] =	ssyncset.done $0x0  }
0x29: {  	[sflag:s18] =	ssyncadd.s32 $0xFFFFD800  }
0x2a: {  	[spmem:s7] =	stream.linear.scatter [tilespmem:s17], [sflag:$0x3], $0x2800, $0x38;
	[tilespmem:$0x1F780] =	vst v63  }
0x2b: {  	_ =	swait.ge [sflag:s18], $0x2800  }
0x2c: {  	[sflag:s18] =	ssyncset.done $0x0  }
0x2d: {  	[sflag:s18] =	ssyncadd.s32 $0xFFFFD800  }
0x2e: {  	[spmem:s8] =	stream.linear.scatter [tilespmem:s17], [sflag:$0x3], $0x2800, $0x38;
	[tilespmem:$0x1F780] =	vst v63  }
0x2f: {  	_ =	swait.ge [sflag:s18], $0x2800  }
0x30: {  	[sflag:s18] =	ssyncset.done $0x0  }
0x31: {  	[sflag:s18] =	ssyncadd.s32 $0xFFFFD800  }
0x32: {  	[spmem:s9] =	stream.linear.scatter [tilespmem:s17], [sflag:$0x3], $0x2800, $0x38;
	[tilespmem:$0x1F780] =	vst v63  }
0x33: {  	_ =	swait.ge [sflag:s18], $0x2800  }
0x34: {  	[sflag:s18] =	ssyncset.done $0x0  }
0x35: {  	[sflag:s18] =	ssyncadd.s32 $0xFFFFD800  }
0x36: {  	[spmem:s10] =	stream.linear.scatter [tilespmem:s17], [sflag:$0x3], $0x2800, $0x38;
	[tilespmem:$0x1F780] =	vst v63  }
0x37: {  	_ =	swait.ge [sflag:s18], $0x2800  }
0x38: {  	[sflag:s18] =	ssyncset.done $0x0  }
0x39: {  	[sflag:s18] =	ssyncadd.s32 $0xFFFFD800  }
0x3a: {  	[spmem:s11] =	stream.linear.scatter [tilespmem:s17], [sflag:$0x3], $0x2800, $0x38;
	[tilespmem:$0x1F780] =	vst v63  }
0x3b: {  	_ =	swait.ge [sflag:s18], $0x2800  }
0x3c: {  	[sflag:s18] =	ssyncset.done $0x0  }
0x3d: {  	[sflag:s18] =	ssyncadd.s32 $0xFFFFD800  }
0x3e: {  	[spmem:s12] =	stream.linear.scatter [tilespmem:s17], [sflag:$0x3], $0x2800, $0x38;
	[tilespmem:$0x1F780] =	vst v63  }
0x3f: {  	_ =	swait.ge [sflag:s18], $0x2800  }
0x40: {  	[sflag:s18] =	ssyncset.done $0x0  }
0x41: {  	[sflag:s18] =	ssyncadd.s32 $0xFFFFD800  }
0x42: {  	[bflag:$0x0] =	sbarrier.arrive $0xFFFF  }
0x43: {  	[tilespmem:s4], [sflag:$0x3] =	stream.linear.gather [hbm4b:s13+s4], $0x2710, $0x38;
	[tilespmem:$0x1F780] =	vst v63  }
0x44: {  	_ =	swait.ge [sflag:s18], $0x2710  }
0x45: {  	[sflag:s18] =	ssyncset.done $0x0  }
0x46: {  	s29 =	simm.s32 $0x2780;
	[sflag:s18] =	ssyncadd.s32 $0xFFFFD8F0  }
0x47: {  	[tilespmem:s29], [sflag:$0x3] =	stream.linear.gather [hbm4b:s14+s4], $0x3E80, $0x38;
	[tilespmem:$0x1F780] =	vst v63  }
0x48: {  	s26 =	simm.s32 $0x1;
	_ =	swait.ge [sflag:s18], $0x3E80  }
0x49: {  	s25 =	simm.s32 $0x50;
	s26 =	sand.u32 $0x1, s26;
	[sflag:s18] =	ssyncset.done $0x0  }
0x4a: {  	p0 =	seq.s32 s26, $0x1;
	s26 =	simm.s32 $0x8F80;
	[sflag:s18] =	ssyncadd.s32 $0xFFFFC180  }
0x4b: {  	[tilespmem:s17], [sflag:$0x1] =	stream.indirect.gather [hbm4b:s1+s25], $0x80, s4, s25, $0xb8;
	[tilespmem:$0x1F780] =	vst v63  }
0x4c: {  	s26 =	simm.s32 @!p0 $0x6780  }
0x4d: {  	[tilespmem:s26], [sflag:$0x1] =	stream.indirect.gather [hbm4b:s1+s19], $0x80, s25, s19, $0xb8;
	[tilespmem:$0x1F780] =	vst v63  }
0x4e: {  	_ =	swait.ge [sflag:s20], $0x2800  }
0x4f: {  	s30 =	simm.s32 $0x2;
	s28 =	simm.s32 $0x6780;
	[sflag:s20] =	ssyncset.done $0x0  }
0x50: {  	s31 =	sand.u32 $0x1, s30;
	s28 =	simm.s32 @!p0 $0x8F80;
	[sflag:s20] =	ssyncadd.s32 $0xFFFFD800  }
0x51: {  	[spmem:s3] =	stream.indirect.scatter.add.f32 [tilespmem:s28], [sflag:$0x2], $0x80, s29, s19, $0xb8;
	[tilespmem:$0x1F780] =	vst v63  }
0x52: {  	s24 =	simm.s32 $0x2800;
	p0 =	seq.s32 s31, $0x1;
	_ =	swait.ge [sflag:s21], $0x2800  }
0x53: {  	s26 =	simm.s32 $0x3;
	s25 =	simm.s32 $0xA0;
	[sflag:s21] =	ssyncset.done $0x0  }
.LBB2_4:
0x54: {  	s28 =	simm.s32 $0x8F80;
	[sflag:s21] =	ssyncadd.s32 $0xFFFFD800  }
0x55: {  	s29 =	smov.u32 s26;
	s30 =	sadd.s32 $0x1, s26;
	s28 =	simm.s32 @!p0 $0x6780  }
0x56: {  	[tilespmem:s28], [sflag:$0x1] =	stream.indirect.gather [hbm4b:s1+s19], $0x80, s25, s19, $0xb8;
	[tilespmem:$0x1F780] =	vst v63  }
0x57: {  	p1 =	sne.s32 s26, $0x7C;
	_ =	swait.ge [sflag:s20], $0x2800  }
.Ltmp1:
0x58: {  	s26 =	simm.s32 $0x6780;
	[sflag:s20] =	ssyncset.done $0x0;
	(pc) =	sbr.rel @p1 .LBB2_4-.Ltmp1, $4  }
0x59: {  	s26 =	simm.s32 @!p0 $0x8F80;
	s25 =	sadd.s32 $0x50, s25;
	[sflag:s20] =	ssyncadd.s32 $0xFFFFD800  }
0x5a: {  	[spmem:s3] =	stream.indirect.scatter.add.f32 [tilespmem:s26], [sflag:$0x2], $0x80, s24, s19, $0xb8;
	[tilespmem:$0x1F780] =	vst v63  }
0x5b: {  	s26 =	sand.u32 $0x1, s29;
	s24 =	sadd.s32 $0x80, s24;
	_ =	swait.ge [sflag:s21], $0x2800  }
0x5c: {  	p0 =	seq.s32 s26, $0x1;
	s26 =	smov.u32 s30;
	[sflag:s21] =	ssyncset.done $0x0  }
0x5d: {  	s26 =	simm.s32 $0x8F80  }
0x5e: {  	[sflag:s21] =	ssyncadd.s32 $0xFFFFD800;
	s26 =	simm.s32 @!p0 $0x6780  }
0x5f: {  	[tilespmem:s26], [sflag:$0x1] =	stream.indirect.gather [hbm4b:s1+s19], $0x80, s25, s19, $0xb8;
	[tilespmem:$0x1F780] =	vst v63  }
0x60: {  	_ =	swait.ge [sflag:s20], $0x2800  }
0x61: {  	s25 =	simm.s32 $0x6780;
	[sflag:s20] =	ssyncset.done $0x0  }
0x62: {  	s25 =	simm.s32 @!p0 $0x8F80;
	[sflag:s20] =	ssyncadd.s32 $0xFFFFD800  }
0x63: {  	[spmem:s3] =	stream.indirect.scatter.add.f32 [tilespmem:s25], [sflag:$0x2], $0x80, s24, s19, $0xb8;
	[tilespmem:$0x1F780] =	vst v63  }
0x64: {  	_ =	swait.ge [sflag:s21], $0x2800  }
0x65: {  	[sflag:s21] =	ssyncset.done $0x0  }
0x66: {  	[sflag:s21] =	ssyncadd.s32 $0xFFFFD800  }
0x67: {  	_ =	swait.ge [sflag:s20], $0x2800  }
0x68: {  	[sflag:s20] =	ssyncset.done $0x0  }
0x69: {  	[sflag:s20] =	ssyncadd.s32 $0xFFFFD800  }
0x6a: {  	[spmem:s3] =	stream.indirect.scatter.add.f32 [tilespmem:s17], [sflag:$0x2], $0x80, s22, s19, $0xb8;
	[tilespmem:$0x1F780] =	vst v63  }
0x6b: {  	_ =	swait.ge [sflag:s21], $0x2800  }
0x6c: {  	s30 =	sshll.u32 s0, $0x6;
	s23 =	sadd.s32 $0x1, s23;
	[sflag:s21] =	ssyncset.done $0x0  }
0x6d: {  	s31 =	sshrl.u32 s5, $0x3;
	p0 =	sne.s32 s23, s16;
	[sflag:s21] =	ssyncadd.s32 $0xFFFFD800  }
.Ltmp2:
0x6e: {  	s24 =	sor.u32 $0x1C03, s30;
	[bflag:$0x0] =	sbarrier.arrive $0xFFFF;
	(pc) =	sbr.rel @p0 .LBB2_1-.Ltmp2, $4  }
0x6f: {  	[hbm:s15], [sflag:s24] =	dma.local [spmem:s31], $0x2800  }
0x70: {  	_ =	swait.ge [sflag:s18], $0x2800  }
0x71: {  	[sflag:s18] =	ssyncset.done $0x0  }
0x72: {  	[sflag:s18] =	ssyncadd.s32 $0xFFFFD800  }
0x73: {  	_ =	sfence.sel $0x180000  }
0x74: {  	[bflag:$0x0] =	sbarrier.arrive $0xFFFF  }
0x75: {  	p0 =	sne.s32 s0, $0x0;
	_ =	strace $0x9000004A  }
0x76: {  	s0 =	sadd.s32 @!p0 $0x100000, s2;
	[bflag:$0x2] =	sbarrier.arrive $0xFFFF  }
0x77: {  	[sflag:s0] =	ssyncadd.tile.s32 @!p0 $0x1;
	_ =	shalt  }
.Lfunc_end2:
_tile_overlayer_lowered:
.L_overlay_start_2:
0x78: {  	(tag) =	ssettag $0x2  }
0x79: {  	s0 =	rddreg [dreg:$0x0];
	s2 =	stileid.u32  }
0x7a: {  	s1 =	rddreg [dreg:$0x1];
	p0 =	sne.s32 s2, $0x0  }
0x7b: {  	s3 =	rddreg [dreg:$0x2];
	[bflag:$0x3] =	sbarrier.arrive $0xFFFF;
	s2 =	simm.s32 @!p0 $0x1C03  }
0x7c: {  	[timem:s3], [sflag:s2] =	dma.local @!p0 [hbm:s0], s1  }
0x7d: {  	s0 =	simm.s32 @!p0 $0x3  }
0x7e: {  	_ =	swait.ge @!p0 [sflag:s0], s1  }
0x7f: {  	s1 =	ssub.s32 @!p0 $0x0, s1;
	[sflag:s0] =	ssyncset.done @!p0 $0x0  }
0x80: {  	[sflag:s0] =	ssyncadd.s32 @!p0 s1  }
0x81: {  	[bflag:$0x3] =	sbarrier.arrive $0xFFFF  }
0x82: {  	_ =	shalt  }

// kernel: kernel.7.cloned.1.call-start
scs
__scs_entry_jumppad:
0x0: {  	(pc) =	sbr.rel $0x88, $3  }
0x1: {  	(tag) =	ssettag $0x0;
	lr =	simm.s32 $0x1  }
0x2: {  	[smem:$0x3F96] =	sst lr;
	_ =	strace $0xD0000000  }
0x3: {  	_ = 	snop  }
0x4: {  	_ = 	snop  }
0x5: {  	_ = 	snop  }
0x6: {  	_ = 	snop  }
0x7: {  	_ = 	snop  }
__scs_overlays_trampoline_lowered:
0x8: {  	[smem:$0x3FA5] =	sst s0  }
0x9: {  	[smem:$0x3FA6] =	sst s1  }
0xa: {  	[smem:$0x3FA7] =	sst s2  }
0xb: {  	[smem:$0x3FA8] =	sst s3  }
0xc: {  	[smem:$0x3FA9] =	sst s4  }
0xd: {  	[smem:$0x3FAA] =	sst s5  }
0xe: {  	[smem:$0x3FAB] =	sst s6  }
0xf: {  	[smem:$0x3FAC] =	sst s7  }
0x10: {  	[smem:$0x3FAD] =	sst s8  }
0x11: {  	[smem:$0x3FAE] =	sst s9;
	s0 =	simm.s32 @!p0 $0x0  }
0x12: {  	s1 =	sld [smem:$0x3F94];
	s0 =	simm.s32 @p0 $0x1  }
0x13: {  	[smem:$0x3FAF] =	sst s0;
	s0 =	simm.s32 @!p1 $0x0  }
0x14: {  	s2 =	sld [smem:$0x3F93];
	s0 =	simm.s32 @p1 $0x1  }
0x15: {  	[smem:$0x3FB0] =	sst s0;
	s0 =	simm.s32 @!p2 $0x0  }
0x16: {  	s3 =	sld [smem:$0x3FDB];
	s0 =	simm.s32 @p2 $0x1  }
0x17: {  	s4 =	simm.s32 $0x1BF5;
	[smem:$0x3FB2] =	sst s0  }
0x18: {  	s0 =	sld [smem:$0x3F95];
	_ =	swait.ge [sflag:s4], $0x0  }
0x19: {  	s7 =	sld [smem:$0x3F96]  }
0x1a: {  	s8 =	sadd.s32 $0xFFFFE003, lr  }
0x1b: {  	s9 =	sadd.s32 $0xFFFFFEF7, lr;
	s5 =	simm.s32 $0xFFFFFFFF;
	p2 =	slt.u32 s8, $0xFFFFF086  }
0x1c: {  	p1 =	slt.u32 s9, $0xF7A;
	s5 =	simm.s32 @!p2 $0x0  }
0x1d: {  	s5 =	simm.s32 @p1 $0x1;
	p0 =	seq.s32 s7, s2  }
0x1e: {  	s7 =	smul.u32 @!p0 $0xF7A, s2;
	p2 =	seq.s32 @!p0 s5, $0x0  }
0x1f: {  	s9 =	smul.u32 $0xF7A, s1;
	s8 =	simm.s32 @!p0 $0x1BF5;
	p2 =	por !p2, p0  }
0x20: {  	[sflag:s8] =	ssyncset.s32 @!p0 $0xFFFFF086;
	s6 =	sadd.s32 @!p0 s3, s7;
	s7 =	simm.s32 @!p0 $0x108  }
0x21: {  	s3 =	sadd.s32 s3, s9;
	s6 =	sadd.s32 @!p0 $0x88, s6;
	s7 =	simm.s32 @p2 $0x1082  }
0x22: {  	[simem:s7], [sflag:s8] =	dma.local @!p0 [hbm:s6], $0xF7A  }
0x23: {  	s9 =	sor.u32 $0xD0000000, s2;
	s6 =	simm.s32 $0x108;
	_ =	swait.ge @!p0 [sflag:s8], $0x0  }
0x24: {  	s3 =	sadd.s32 $0x88, s3;
	s6 =	simm.s32 @!p1 $0x1082;
	[sflag:s4] =	ssyncset.s32 $0xFFFFF086  }
0x25: {  	[simem:s6], [sflag:s4] =	dma.local [hbm:s3], $0xF7A  }
0x26: {  	[smem:$0x3F96] =	sst s1;
	(tag) =	ssettag s2;
	_ =	strace s9  }
0x27: {  	s1 =	sld [smem:$0x3FA6]  }
0x28: {  	s2 =	sld [smem:$0x3FA7]  }
0x29: {  	s4 =	sld [smem:$0x3FA9]  }
0x2a: {  	p0 =	seq.s32 s5, $0x0;
	s5 =	sld [smem:$0x3FAA]  }
0x2b: {  	s6 =	sld [smem:$0x3FAB]  }
0x2c: {  	s7 =	sld [smem:$0x3FAC]  }
0x2d: {  	s3 =	simm.s32 $0x108;
	s8 =	sld [smem:$0x3FAD]  }
0x2e: {  	s3 =	simm.s32 @!p0 $0x1082;
	s9 =	sld [smem:$0x3FAE]  }
0x2f: {  	lr =	sadd.s32 s0, s3;
	s0 =	sld [smem:$0x3FA5]  }
0x30: {  	s3 =	sld [smem:$0x3FA8]  }
0x31: {  	[smem:$0x3FB1] =	sst s10  }
0x32: {  	s10 =	sld [smem:$0x3FAF];
	_ =	sdelay $0x3  }
0x33: {  	p0 =	seq.s32 s10, $0x1;
	s10 =	sld [smem:$0x3FB1];
	_ =	sdelay $0x3  }
0x34: {  	[smem:$0x3FB1] =	sst s10  }
0x35: {  	s10 =	sld [smem:$0x3FB0];
	_ =	sdelay $0x3  }
0x36: {  	p1 =	seq.s32 s10, $0x1;
	s10 =	sld [smem:$0x3FB1];
	_ =	sdelay $0x3  }
0x37: {  	[smem:$0x3FB1] =	sst s10  }
0x38: {  	s10 =	sld [smem:$0x3FB2]  }
0x39: {  	_ = 	snop;
	(pc) =	sbr.ind lr, $3  }
0x3a: {  	_ = 	snop  }
0x3b: {  	_ = 	snop  }
0x3c: {  	p2 =	seq.s32 s10, $0x1;
	s10 =	sld [smem:$0x3FB1]  }
0x3d: {  	_ =	shalt  }
0x3e: {  	_ =	shalt  }
0x3f: {  	_ =	shalt  }
0x40: {  	_ =	shalt  }
0x41: {  	_ =	shalt  }
0x42: {  	_ =	shalt  }
0x43: {  	_ =	shalt  }
0x44: {  	_ =	shalt  }
0x45: {  	_ =	shalt  }
0x46: {  	_ =	shalt  }
0x47: {  	_ =	shalt  }
0x48: {  	_ =	shalt  }
0x49: {  	_ =	shalt  }
0x4a: {  	_ =	shalt  }
0x4b: {  	_ =	shalt  }
0x4c: {  	_ =	shalt  }
0x4d: {  	_ =	shalt  }
0x4e: {  	_ =	shalt  }
0x4f: {  	_ =	shalt  }
0x50: {  	_ =	shalt  }
0x51: {  	_ =	shalt  }
0x52: {  	_ =	shalt  }
0x53: {  	_ =	shalt  }
0x54: {  	_ =	shalt  }
0x55: {  	_ =	shalt  }
0x56: {  	_ =	shalt  }
0x57: {  	_ =	shalt  }
0x58: {  	_ =	shalt  }
0x59: {  	_ =	shalt  }
0x5a: {  	_ =	shalt  }
0x5b: {  	_ =	shalt  }
0x5c: {  	_ =	shalt  }
0x5d: {  	_ =	shalt  }
0x5e: {  	_ =	shalt  }
0x5f: {  	_ =	shalt  }
0x60: {  	_ =	shalt  }
0x61: {  	_ =	shalt  }
0x62: {  	_ =	shalt  }
0x63: {  	_ =	shalt  }
0x64: {  	_ =	shalt  }
0x65: {  	_ =	shalt  }
0x66: {  	_ =	shalt  }
0x67: {  	_ =	shalt  }
0x68: {  	_ =	shalt  }
0x69: {  	_ =	shalt  }
0x6a: {  	_ =	shalt  }
0x6b: {  	_ =	shalt  }
0x6c: {  	_ =	shalt  }
0x6d: {  	_ =	shalt  }
0x6e: {  	_ =	shalt  }
0x6f: {  	_ =	shalt  }
0x70: {  	_ =	shalt  }
0x71: {  	_ =	shalt  }
0x72: {  	_ =	shalt  }
0x73: {  	_ =	shalt  }
0x74: {  	_ =	shalt  }
0x75: {  	_ =	shalt  }
0x76: {  	_ =	shalt  }
0x77: {  	_ =	shalt  }
0x78: {  	_ =	shalt  }
0x79: {  	_ =	shalt  }
0x7a: {  	_ =	shalt  }
0x7b: {  	_ =	shalt  }
0x7c: {  	_ =	shalt  }
0x7d: {  	_ =	shalt  }
0x7e: {  	_ =	shalt  }
0x7f: {  	_ =	shalt  }
0x80: {  	_ =	shalt  }
0x81: {  	_ =	shalt  }
0x82: {  	_ =	shalt  }
0x83: {  	_ =	shalt  }
0x84: {  	_ =	shalt  }
0x85: {  	_ =	shalt  }
0x86: {  	_ =	shalt  }
0x87: {  	_ =	shalt  }
.Lfunc_end0:
.L_simem_size_0:
called_computation_lowered:
.L_overlay_start_0:
0x88: {  	s2 =	sld [smem:$0x3FD9]  }
0x89: {  	s3 =	sld [smem:$0x3FFE];
	_ =	sdelay $0x1  }
0x8a: {  	s1 =	srdreg.scid  }
0x8b: {  	s0 =	sand.u32 $0x1, s1  }
0x8c: {  	s14 =	sshll.u32 s0, $0xA;
	s2 =	sadd.s32 s3, s2  }
0x8d: {  	s2 =	sadd.s32 s2, s14  }
0x8e: {  	[smem:$0x3FBD] =	sst s2  }
0x8f: {  	_ = 	snop  }
0x90: {  	s2 =	sld [smem:$0x3FD0];
	_ =	sdelay $0x2  }
0x91: {  	s15 =	simm.s32 $0xA;
	s4 =	simm.s32 $0x10  }
0x92: {  	[smem:s4], [sflag:s15] =	dma.local [hbm:s2], $0x1  }
0x93: {  	_ =	swait.eq [sflag:s15], $0x1  }
0x94: {  	[sflag:s15] =	ssyncset.done $0x0  }
0x95: {  	s16 =	sld [smem:$0x10];
	[sflag:s15] =	ssyncadd.s32 $0xFFFFFFFF  }
0x96: {  	s17 =	sld [smem:$0x11];
	(tm) =	ssettm $0x1  }
0x97: {  	s18 =	sld [smem:$0x3FFB];
	_ =	sdelay $0x3  }
0x98: {  	_ =	strace s18  }
0x99: {  	s4 =	sld [smem:$0x3FFC];
	_ =	sdelay $0x3  }
0x9a: {  	_ =	strace s4  }
0x9b: {  	s4 =	sld [smem:$0x3FFD];
	_ =	sdelay $0x3  }
0x9c: {  	_ =	strace s4  }
0x9d: {  	_ =	strace $0x8FFFFFFF  }
0x9e: {  	s19 =	sld [smem:$0x3FDB];
	_ =	sdelay $0x1  }
0x9f: {  	s5 =	simm.s32 $_scs_section_size  }
0xa0: {  	s6 =	simm.s32 $_size__tile_overlayer_lowered;
	s7 =	simm.s32 $_tile_overlayer_lowered  }
0xa1: {  	s22 =	simm.s32 $0x1BFF;
	s21 =	sshll.u32 s7, $0x1;
	s4 =	sadd.s32 s5, s19  }
0xa2: {  	s8 =	simm.s32 $0x0;
	s20 =	sshll.u32 s6, $0x1;
	s6 =	sadd.s32 s21, s4  }
0xa3: {  	[timem:s8], [sflag:s22] =	dma.local [hbm:s6], s20  }
0xa4: {  	_ =	swait.ge [sflag:s22], s20  }
0xa5: {  	s5 =	ssub.s32 $0x0, s20;
	[sflag:s22] =	ssyncset.done $0x0  }
0xa6: {  	[sflag:s22] =	ssyncadd.s32 s5;
	_ =	sdelay $0x1  }
0xa7: {  	s23 =	simm.s32 $0x1B8B  }
0xa8: {  	_ =	swait.ge [sflag:s23], $0x1  }
0xa9: {  	[sflag:s23] =	ssyncset.done $0x0  }
0xaa: {  	s25 =	simm.s32 $0x1B8E;
	s24 =	sld [smem:$0x3FFE];
	[sflag:s23] =	ssyncadd.s32 $0xFFFFFFFF  }
0xab: {  	s26 =	simm.s32 $execute0_lowered;
	[smem:$0x3FD2] =	sst s25  }
0xac: {  	s6 =	sshll.u32 s26, $0x1;
	_ =	strace $0x80000046;
	[dreg:$0x1] =	wrdreg $0xFFFFFFFF  }
0xad: {  	s28 =	simm.s32 $_size_execute0_lowered;
	s4 =	sadd.s32 s4, s6;
	[dreg:$0x0] =	wrdreg $0x0  }
0xae: {  	s6 =	sshll.u32 s28, $0x1;
	[dreg:$0x2] =	wrdreg s4  }
0xaf: {  	[dreg:$0x3] =	wrdreg s6  }
0xb0: {  	[dreg:$0x4] =	wrdreg $0xC0  }
0xb1: {  	_ =	task [dreg:s8], $0x5FFFF  }
0xb2: {  	[dreg:$0x1] =	wrdreg $0xFFFFFFFF  }
0xb3: {  	[dreg:$0x0] =	wrdreg $0x60  }
0xb4: {  	[dreg:$0x2] =	wrdreg s16  }
0xb5: {  	[dreg:$0x3] =	wrdreg s24  }
0xb6: {  	[dreg:$0x4] =	wrdreg s17  }
0xb7: {  	[dreg:$0x5] =	wrdreg $0xB7800  }
0xb8: {  	[dreg:$0x6] =	wrdreg $0x9  }
0xb9: {  	_ =	task.clear_ibuf [dreg:s8], $0x7FFFF;
	_ =	strace $0x90000046  }
0xba: {  	s29 =	simm.s32 $0x9;
	_ =	strace $0x80000048  }
0xbb: {  	_ =	swait.ge [sflag:s29], $0x1  }
0xbc: {  	[sflag:s29] =	ssyncadd.s32 $0xFFFFFFFF  }
0xbd: {  	_ =	strace $0x90000048  }
0xbe: {  	_ =	sfence  }
0xbf: {  	s30 =	sld [smem:$0x0];
	_ =	sdelay $0x2  }
0xc0: {  	s31 =	sshll.u32 s1, $0xD;
	s1 =	sshrl.u32 s1, $0x2  }
0xc1: {  	s3 =	sand.u32 $0x4000, s31;
	s1 =	sadd.s32 s1, s30  }
0xc2: {  	s0 =	sor.u32 s3, s0;
	s1 =	sshll.u32 s1, $0x11  }
0xc3: {  	s0 =	sor.u32 s1, s0  }
0xc4: {  	s0 =	sadd.s32 $0x8F2B, s0  }
0xc5: {  	[sflag:s0] =	ssyncadd.remote.s32 $0x1  }
0xc6: {  	_ =	sfence.sel $0xFFFF  }
0xc7: {  	[dreg:$0x0] =	wrdreg $0xFFFFFFFF;
	(pc) =	sbr.abs _section_cstart, $3  }
0xc8: {  	[dreg:$0x1] =	wrdreg $0xFFFFFFFF  }
0xc9: {  	_ =	task.clear_ibuf [dreg:s8], $0x2FFFF;
	_ =	strace $0x9FFFFFFF  }
0xca: {  	(tm) =	ssettm $0x7FFFFFFF  }
0xcb: {  	_ =	shalt  }
tec
execute0_lowered:
.L_overlay_start_1:
0x0: {  	(tag) =	ssettag $0x1  }
0x1: {  	s1 =	rddreg [dreg:$0x0]  }
0x2: {  	s2 =	srdreg.scid;
	s6 =	rddreg [dreg:$0x1]  }
0x3: {  	s0 =	stileid.u32;
	s14 =	rddreg [dreg:$0x2]  }
0x4: {  	s3 =	rddreg [dreg:$0x3];
	s4 =	simm.s32 $0x0;
	s18 =	simm.s32 $0x3  }
0x5: {  	s19 =	simm.s32 $0x50;
	s20 =	simm.s32 $0x1;
	s21 =	simm.s32 $0x2  }
0x6: {  	s22 =	simm.s32 $0x6580;
	s23 =	simm.s32 $0x0;
	s5 =	sand.u32 $0x1, s2  }
0x7: {  	s28 =	sshll.u32 s0, $0x1;
	s2 =	rddreg [dreg:$0x4];
	s8 =	smul.u32 $0x2800, s0  }
0x8: {  	[smem:$0x7FF] =	sst s4;
	s9 =	smul.u32 $0x50000, s0;
	s12 =	sor.u32 s5, s28  }
0x9: {  	_ =	strace $0x80000047;
	s10 =	smul.u32 $0x28000, s5;
	s29 =	ssub.s32 $0x2, s5  }
0xa: {  	s7 =	smul.u32 $0x4E2, s12;
	s30 =	sshrl.u32 s9, $0x2;
	s31 =	sshrl.u32 s29, $0x1  }
0xb: {  	s17 =	sshll.u32 s12, $0xB;
	s8 =	sadd.s32 s8, s10;
	s5 =	sadd.s32 s30, s3  }
0xc: {  	s16 =	ssub.s32 s29, s31;
	s14 =	sadd.s32 s14, s17;
	s17 =	simm.s32 $0x6780  }
0xd: {  	s13 =	sadd.s32 s7, s6;
	s15 =	sadd.s32 s8, s6;
	s6 =	sadd.s32 $0x2800, s5  }
0xe: {  	s7 =	sadd.s32 $0x5000, s5;
	s8 =	sadd.s32 $0x7800, s5;
	s9 =	sadd.s32 $0xA000, s5  }
0xf: {  	s10 =	sadd.s32 $0xC800, s5;
	s11 =	sadd.s32 $0xF000, s5;
	s12 =	sadd.s32 $0x11800, s5  }
0x10: {  	v0 =	vimm.f32 $0.0e+00;
	s16 =	smax.u32 s16, $0x1;
	s13 =	sadd.s32 $0x2200, s13;
	s15 =	sadd.s32 $0x15E00, s15  }
.LBB2_1:
0x11: {  	s24 =	simm.s32 $0x0;
	s25 =	simm.s32 $0x200  }
.LBB2_2:
0x12: {  	p0 =	sne.s32 s25, $0x9E00;
	[tilespmem:s24+$0x67F0] =	vst v0  }
0x13: {  	[tilespmem:s24+$0x6780] =	vst v0  }
0x14: {  	[tilespmem:s24+$0x6790] =	vst v0  }
.Ltmp0:
0x15: {  	[tilespmem:s24+$0x67A0] =	vst v0;
	(pc) =	sbr.rel @p0 .LBB2_2-.Ltmp0, $4  }
0x16: {  	[tilespmem:s24+$0x67B0] =	vst v0  }
0x17: {  	[tilespmem:s24+$0x67C0] =	vst v0  }
0x18: {  	[tilespmem:s24+$0x67D0] =	vst v0  }
0x19: {  	[tilespmem:s24+$0x67E0] =	vst v0;
	s24 =	sshra.s32 s25, $0x2;
	s25 =	sadd.s32 $0x200, s25  }
0x1a: {  	[tilespmem:s24+$0x67F0] =	vst v0  }
0x1b: {  	[tilespmem:s24+$0x6780] =	vst v0  }
0x1c: {  	[tilespmem:s24+$0x6790] =	vst v0  }
0x1d: {  	[tilespmem:s24+$0x67A0] =	vst v0  }
0x1e: {  	[tilespmem:s24+$0x67B0] =	vst v0  }
0x1f: {  	[tilespmem:s24+$0x67C0] =	vst v0  }
0x20: {  	[tilespmem:s24+$0x67D0] =	vst v0  }
0x21: {  	[tilespmem:s24+$0x67E0] =	vst v0  }
0x22: {  	[spmem:s5] =	stream.linear.scatter [tilespmem:s17], [sflag:$0x3], $0x2800, $0x38;
	[tilespmem:$0x1F780] =	vst v63  }
0x23: {  	_ =	swait.ge [sflag:s18], $0x2800  }
0x24: {  	[sflag:s18] =	ssyncset.done $0x0  }
0x25: {  	[sflag:s18] =	ssyncadd.s32 $0xFFFFD800  }
0x26: {  	[spmem:s6] =	stream.linear.scatter [tilespmem:s17], [sflag:$0x3], $0x2800, $0x38;
	[tilespmem:$0x1F780] =	vst v63  }
0x27: {  	_ =	swait.ge [sflag:s18], $0x2800  }
0x28: {  	[sflag:s18] =	ssyncset.done $0x0  }
0x29: {  	[sflag:s18] =	ssyncadd.s32 $0xFFFFD800  }
0x2a: {  	[spmem:s7] =	stream.linear.scatter [tilespmem:s17], [sflag:$0x3], $0x2800, $0x38;
	[tilespmem:$0x1F780] =	vst v63  }
0x2b: {  	_ =	swait.ge [sflag:s18], $0x2800  }
0x2c: {  	[sflag:s18] =	ssyncset.done $0x0  }
0x2d: {  	[sflag:s18] =	ssyncadd.s32 $0xFFFFD800  }
0x2e: {  	[spmem:s8] =	stream.linear.scatter [tilespmem:s17], [sflag:$0x3], $0x2800, $0x38;
	[tilespmem:$0x1F780] =	vst v63  }
0x2f: {  	_ =	swait.ge [sflag:s18], $0x2800  }
0x30: {  	[sflag:s18] =	ssyncset.done $0x0  }
0x31: {  	[sflag:s18] =	ssyncadd.s32 $0xFFFFD800  }
0x32: {  	[spmem:s9] =	stream.linear.scatter [tilespmem:s17], [sflag:$0x3], $0x2800, $0x38;
	[tilespmem:$0x1F780] =	vst v63  }
0x33: {  	_ =	swait.ge [sflag:s18], $0x2800  }
0x34: {  	[sflag:s18] =	ssyncset.done $0x0  }
0x35: {  	[sflag:s18] =	ssyncadd.s32 $0xFFFFD800  }
0x36: {  	[spmem:s10] =	stream.linear.scatter [tilespmem:s17], [sflag:$0x3], $0x2800, $0x38;
	[tilespmem:$0x1F780] =	vst v63  }
0x37: {  	_ =	swait.ge [sflag:s18], $0x2800  }
0x38: {  	[sflag:s18] =	ssyncset.done $0x0  }
0x39: {  	[sflag:s18] =	ssyncadd.s32 $0xFFFFD800  }
0x3a: {  	[spmem:s11] =	stream.linear.scatter [tilespmem:s17], [sflag:$0x3], $0x2800, $0x38;
	[tilespmem:$0x1F780] =	vst v63  }
0x3b: {  	_ =	swait.ge [sflag:s18], $0x2800  }
0x3c: {  	[sflag:s18] =	ssyncset.done $0x0  }
0x3d: {  	[sflag:s18] =	ssyncadd.s32 $0xFFFFD800  }
0x3e: {  	[spmem:s12] =	stream.linear.scatter [tilespmem:s17], [sflag:$0x3], $0x2800, $0x38;
	[tilespmem:$0x1F780] =	vst v63  }
0x3f: {  	_ =	swait.ge [sflag:s18], $0x2800  }
0x40: {  	[sflag:s18] =	ssyncset.done $0x0  }
0x41: {  	[sflag:s18] =	ssyncadd.s32 $0xFFFFD800  }
0x42: {  	[bflag:$0x0] =	sbarrier.arrive $0xFFFF  }
0x43: {  	[tilespmem:s4], [sflag:$0x3] =	stream.linear.gather [hbm4b:s13+s4], $0x2710, $0x38;
	[tilespmem:$0x1F780] =	vst v63  }
0x44: {  	_ =	swait.ge [sflag:s18], $0x2710  }
0x45: {  	[sflag:s18] =	ssyncset.done $0x0  }
0x46: {  	s29 =	simm.s32 $0x2780;
	[sflag:s18] =	ssyncadd.s32 $0xFFFFD8F0  }
0x47: {  	[tilespmem:s29], [sflag:$0x3] =	stream.linear.gather [hbm4b:s14+s4], $0x3E80, $0x38;
	[tilespmem:$0x1F780] =	vst v63  }
0x48: {  	s26 =	simm.s32 $0x1;
	_ =	swait.ge [sflag:s18], $0x3E80  }
0x49: {  	s25 =	simm.s32 $0x50;
	s26 =	sand.u32 $0x1, s26;
	[sflag:s18] =	ssyncset.done $0x0  }
0x4a: {  	p0 =	seq.s32 s26, $0x1;
	s26 =	simm.s32 $0x8F80;
	[sflag:s18] =	ssyncadd.s32 $0xFFFFC180  }
0x4b: {  	[tilespmem:s17], [sflag:$0x1] =	stream.indirect.gather [hbm4b:s1+s25], $0x80, s4, s25, $0xb8;
	[tilespmem:$0x1F780] =	vst v63  }
0x4c: {  	s26 =	simm.s32 @!p0 $0x6780  }
0x4d: {  	[tilespmem:s26], [sflag:$0x1] =	stream.indirect.gather [hbm4b:s1+s19], $0x80, s25, s19, $0xb8;
	[tilespmem:$0x1F780] =	vst v63  }
0x4e: {  	_ =	swait.ge [sflag:s20], $0x2800  }
0x4f: {  	s30 =	simm.s32 $0x2;
	s28 =	simm.s32 $0x6780;
	[sflag:s20] =	ssyncset.done $0x0  }
0x50: {  	s31 =	sand.u32 $0x1, s30;
	s28 =	simm.s32 @!p0 $0x8F80;
	[sflag:s20] =	ssyncadd.s32 $0xFFFFD800  }
0x51: {  	[spmem:s3] =	stream.indirect.scatter.add.f32 [tilespmem:s28], [sflag:$0x2], $0x80, s29, s19, $0xb8;
	[tilespmem:$0x1F780] =	vst v63  }
0x52: {  	s24 =	simm.s32 $0x2800;
	p0 =	seq.s32 s31, $0x1;
	_ =	swait.ge [sflag:s21], $0x2800  }
0x53: {  	s26 =	simm.s32 $0x3;
	s25 =	simm.s32 $0xA0;
	[sflag:s21] =	ssyncset.done $0x0  }
.LBB2_4:
0x54: {  	s28 =	simm.s32 $0x8F80;
	[sflag:s21] =	ssyncadd.s32 $0xFFFFD800  }
0x55: {  	s29 =	smov.u32 s26;
	s30 =	sadd.s32 $0x1, s26;
	s28 =	simm.s32 @!p0 $0x6780  }
0x56: {  	[tilespmem:s28], [sflag:$0x1] =	stream.indirect.gather [hbm4b:s1+s19], $0x80, s25, s19, $0xb8;
	[tilespmem:$0x1F780] =	vst v63  }
0x57: {  	p1 =	sne.s32 s26, $0x7C;
	_ =	swait.ge [sflag:s20], $0x2800  }
.Ltmp1:
0x58: {  	s26 =	simm.s32 $0x6780;
	[sflag:s20] =	ssyncset.done $0x0;
	(pc) =	sbr.rel @p1 .LBB2_4-.Ltmp1, $4  }
0x59: {  	s26 =	simm.s32 @!p0 $0x8F80;
	s25 =	sadd.s32 $0x50, s25;
	[sflag:s20] =	ssyncadd.s32 $0xFFFFD800  }
0x5a: {  	[spmem:s3] =	stream.indirect.scatter.add.f32 [tilespmem:s26], [sflag:$0x2], $0x80, s24, s19, $0xb8;
	[tilespmem:$0x1F780] =	vst v63  }
0x5b: {  	s26 =	sand.u32 $0x1, s29;
	s24 =	sadd.s32 $0x80, s24;
	_ =	swait.ge [sflag:s21], $0x2800  }
0x5c: {  	p0 =	seq.s32 s26, $0x1;
	s26 =	smov.u32 s30;
	[sflag:s21] =	ssyncset.done $0x0  }
0x5d: {  	s26 =	simm.s32 $0x8F80  }
0x5e: {  	[sflag:s21] =	ssyncadd.s32 $0xFFFFD800;
	s26 =	simm.s32 @!p0 $0x6780  }
0x5f: {  	[tilespmem:s26], [sflag:$0x1] =	stream.indirect.gather [hbm4b:s1+s19], $0x80, s25, s19, $0xb8;
	[tilespmem:$0x1F780] =	vst v63  }
0x60: {  	_ =	swait.ge [sflag:s20], $0x2800  }
0x61: {  	s25 =	simm.s32 $0x6780;
	[sflag:s20] =	ssyncset.done $0x0  }
0x62: {  	s25 =	simm.s32 @!p0 $0x8F80;
	[sflag:s20] =	ssyncadd.s32 $0xFFFFD800  }
0x63: {  	[spmem:s3] =	stream.indirect.scatter.add.f32 [tilespmem:s25], [sflag:$0x2], $0x80, s24, s19, $0xb8;
	[tilespmem:$0x1F780] =	vst v63  }
0x64: {  	_ =	swait.ge [sflag:s21], $0x2800  }
0x65: {  	[sflag:s21] =	ssyncset.done $0x0  }
0x66: {  	[sflag:s21] =	ssyncadd.s32 $0xFFFFD800  }
0x67: {  	_ =	swait.ge [sflag:s20], $0x2800  }
0x68: {  	[sflag:s20] =	ssyncset.done $0x0  }
0x69: {  	[sflag:s20] =	ssyncadd.s32 $0xFFFFD800  }
0x6a: {  	[spmem:s3] =	stream.indirect.scatter.add.f32 [tilespmem:s17], [sflag:$0x2], $0x80, s22, s19, $0xb8;
	[tilespmem:$0x1F780] =	vst v63  }
0x6b: {  	_ =	swait.ge [sflag:s21], $0x2800  }
0x6c: {  	s30 =	sshll.u32 s0, $0x6;
	s23 =	sadd.s32 $0x1, s23;
	[sflag:s21] =	ssyncset.done $0x0  }
0x6d: {  	s31 =	sshrl.u32 s5, $0x3;
	p0 =	sne.s32 s23, s16;
	[sflag:s21] =	ssyncadd.s32 $0xFFFFD800  }
.Ltmp2:
0x6e: {  	s24 =	sor.u32 $0x1C03, s30;
	[bflag:$0x0] =	sbarrier.arrive $0xFFFF;
	(pc) =	sbr.rel @p0 .LBB2_1-.Ltmp2, $4  }
0x6f: {  	[hbm:s15], [sflag:s24] =	dma.local [spmem:s31], $0x2800  }
0x70: {  	_ =	swait.ge [sflag:s18], $0x2800  }
0x71: {  	[sflag:s18] =	ssyncset.done $0x0  }
0x72: {  	[sflag:s18] =	ssyncadd.s32 $0xFFFFD800  }
0x73: {  	_ =	sfence.sel $0x180000  }
0x74: {  	[bflag:$0x0] =	sbarrier.arrive $0xFFFF  }
0x75: {  	p0 =	sne.s32 s0, $0x0;
	_ =	strace $0x90000047  }
0x76: {  	s0 =	sadd.s32 @!p0 $0x100000, s2;
	[bflag:$0x2] =	sbarrier.arrive $0xFFFF  }
0x77: {  	[sflag:s0] =	ssyncadd.tile.s32 @!p0 $0x1;
	_ =	shalt  }
.Lfunc_end2:
_tile_overlayer_lowered:
.L_overlay_start_2:
0x78: {  	(tag) =	ssettag $0x2  }
0x79: {  	s0 =	rddreg [dreg:$0x0];
	s2 =	stileid.u32  }
0x7a: {  	s1 =	rddreg [dreg:$0x1];
	p0 =	sne.s32 s2, $0x0  }
0x7b: {  	s3 =	rddreg [dreg:$0x2];
	[bflag:$0x3] =	sbarrier.arrive $0xFFFF;
	s2 =	simm.s32 @!p0 $0x1C03  }
0x7c: {  	[timem:s3], [sflag:s2] =	dma.local @!p0 [hbm:s0], s1  }
0x7d: {  	s0 =	simm.s32 @!p0 $0x3  }
0x7e: {  	_ =	swait.ge @!p0 [sflag:s0], s1  }
0x7f: {  	s1 =	ssub.s32 @!p0 $0x0, s1;
	[sflag:s0] =	ssyncset.done @!p0 $0x0  }
0x80: {  	[sflag:s0] =	ssyncadd.s32 @!p0 s1  }
0x81: {  	[bflag:$0x3] =	sbarrier.arrive $0xFFFF  }
0x82: {  	_ =	shalt  }

</sc_bundles>
